<compile_context>
chip_gen: v7x
topology: tpu7x:2x2x1
jax: 0.10.2.dev20260603
libtpu: 0.0.44.dev20260713+nightly
codegen_flags: <defaults>
</compile_context>

<pallas_src>
import functools

import jax
import jax.numpy as jnp
from jax import lax
from jax.experimental import pallas as pl
from jax.experimental.pallas import tpu as pltpu
from jax.experimental.pallas import tpu_sc as plsc

L = 16
BW = 128
SC = 4
NC, NS = 2, 16


@functools.lru_cache(maxsize=None)
def _build(batch: int, seq: int, dim: int):
    nw = NC * NS
    assert batch == nw * BW * (batch // (nw * BW))
    bpw = batch // nw
    assert bpw == BW and dim == 2 * L and seq % SC == 0
    nchunks = seq // SC
    assert nchunks % 2 == 0
    rows_per_chunk = SC * BW
    trows = SC * dim

    mesh = plsc.VectorSubcoreMesh(core_axis_name="c", subcore_axis_name="s",
                                  num_cores=NC, num_subcores=NS)
    scratch = (
        [pltpu.VMEM((seq, dim), jnp.float32)]
        + [pltpu.VMEM((SC, BW), jnp.int32) for _ in range(2)]
        + [pltpu.VMEM((rows_per_chunk, dim), jnp.float32) for _ in range(2)]
        + [pltpu.VMEM((trows, BW + 1), jnp.float32) for _ in range(2)]
        + [pltpu.SemaphoreType.DMA for _ in range(4)]
    )

    @functools.partial(
        pl.kernel,
        out_type=jax.ShapeDtypeStruct((seq * dim, batch), jnp.float32),
        mesh=mesh,
        scratch_types=scratch,
        compiler_params=pltpu.CompilerParams(use_tc_tiling_on_sc=False,
                                             needs_layout_passes=False),
    )
    def kern(idx_hbm, tok_hbm, pos_hbm, out_hbm, pos_v,
             ic0, ic1, buf0, buf1, tb0, tb1, g0, g1, o0, o1):
        idxc = (ic0, ic1)
        buf = (buf0, buf1)
        tbuf = (tb0, tb1)
        gsem = (g0, g1)
        osem = (o0, o1)

        wid = lax.axis_index("s") * NC + lax.axis_index("c")
        col0 = wid * BW

        pltpu.sync_copy(pos_hbm, pos_v)

        def issue(g, b):
            pltpu.sync_copy(
                idx_hbm.at[pl.ds(g * SC, SC), pl.ds(col0, BW)], idxc[b])
            for si in range(SC):
                pltpu.async_copy(
                    tok_hbm.at[idxc[b].at[si]],
                    buf[b].at[pl.ds(si * BW, BW)], gsem[b])

        def gather_wait(g, b):
            for si in range(SC):
                pltpu.make_async_copy(
                    tok_hbm.at[idxc[b].at[si]],
                    buf[b].at[pl.ds(si * BW, BW)], gsem[b]).wait()

        def out_wait(g, b):
            pltpu.make_async_copy(
                tbuf[b].at[:, pl.ds(0, BW)],
                out_hbm.at[pl.ds(g * trows, trows),
                           pl.ds(col0, BW)], osem[b]).wait()

        iota = lax.iota(jnp.int32, L)
        rowvecs = [iota + j * L for j in range(BW // L)]

        def transpose_add(g, b):
            for si in range(SC):
                s = g * SC + si
                p0 = pos_v[s, pl.ds(0, L)]
                p1 = pos_v[s, pl.ds(L, L)]
                row0 = iota + si * dim
                row1 = row0 + L

                @plsc.parallel_loop(0, BW, unroll=4)
                def scb(bi, si=si, p0=p0, p1=p1, row0=row0, row1=row1, b=b):
                    r = si * BW + bi
                    col = jnp.full((L,), bi, jnp.int32)
                    v0 = buf[b][r, pl.ds(0, L)] + p0
                    v1 = buf[b][r, pl.ds(L, L)] + p1
                    plsc.store_scatter(tbuf[b], [row0, col], v0)
                    plsc.store_scatter(tbuf[b], [row1, col], v1)

        issue(0, 0)
        issue(1, 1)

        def chunk_pair(i, _):
            for b in range(2):
                g = i * 2 + b
                gather_wait(g, b)

                @pl.when(g >= 2)
                def _(g=g, b=b):
                    out_wait(g - 2, b)

                transpose_add(g, b)
                pltpu.async_copy(
                    tbuf[b].at[:, pl.ds(0, BW)],
                    out_hbm.at[pl.ds(g * trows, trows),
                               pl.ds(col0, BW)], osem[b])

                @pl.when(g + 2 < nchunks)
                def _(g=g, b=b):
                    issue(g + 2, b)
            return 0

        lax.fori_loop(0, nchunks // 2, chunk_pair, 0)
        out_wait(nchunks - 2, 0)
        out_wait(nchunks - 1, 1)

    return kern


def kernel(inputs, token_table, position_table):
    batch, seq = inputs.shape
    dim = token_table.shape[1]
    idx_t = inputs.astype(jnp.int32).T
    out = _build(batch, seq, dim)(
        idx_t, token_table.astype(jnp.float32),
        position_table.astype(jnp.float32))
    return out.reshape(seq, dim, batch).transpose(2, 0, 1)

# --- scband reference (transcript-rebuilt; emitter-appended) ---
"""Pipeline reference for scband-basic-positional-embeddings-91113436218044 (READ-ONLY COPY).

The authoritative reference and input builder live on the scoring server;
editing this copy changes nothing except your own understanding.
"""

import jax, jax.numpy as jnp
import numpy as np

DIM_EMB = 32
MAX_TOKENS = 1000000
MAX_SEQ_LENGTH = 200
BATCH = 4096
SEQ = 200

def setup_inputs(seed: int = 0) -> dict:
    key = jax.random.key(seed)
    k_idx, k_tok, k_pos = jax.random.split(key, 3)
    inputs = jax.random.randint(k_idx, (BATCH, SEQ), 0, MAX_TOKENS, dtype=jnp.int64 if jax.config.jax_enable_x64 else jnp.int32)
    token_table = jax.random.normal(k_tok, (MAX_TOKENS, DIM_EMB), dtype=jnp.float32) * 0.02
    position_table = jax.random.normal(k_pos, (MAX_SEQ_LENGTH, DIM_EMB), dtype=jnp.float32) * 0.02
    return {"inputs": inputs, "token_table": token_table, "position_table": position_table}

def reference(inputs, token_table, position_table):
    # token embedding lookup: gather rows of token_table
    tok_emb = jnp.take(token_table, inputs, axis=0)  # [B, S, D]
    # positional embedding: ordinal positions 0..S-1
    seq_len = inputs.shape[-1]
    positions = jnp.arange(seq_len)
    pos_emb = jnp.take(position_table, positions, axis=0)  # [S, D]
    return tok_emb + pos_emb[None, :, :]

if __name__ == "__main__":
    import jax
    _d = setup_inputs()
    print(jax.jit(kernel)(*tuple(_d.values())))

</pallas_src>

<mosaic_0001>
#map = affine_map<(d0, d1) -> (0, 0)>
module attributes {stable_mosaic.version = 14 : i64} {
  func.func @kern(%arg0: i32, %arg1: i32, %arg2: memref<200x4096xi32, #tpu.memory_space<hbm>>, %arg3: memref<1000000x32xf32, #tpu.memory_space<hbm>>, %arg4: memref<200x32xf32, #tpu.memory_space<hbm>>, %arg5: memref<6400x4096xf32, #tpu.memory_space<hbm>>, %arg6: memref<200x32xf32, #tpu.memory_space<vmem>>, %arg7: memref<4x128xi32, #tpu.memory_space<vmem>>, %arg8: memref<4x128xi32, #tpu.memory_space<vmem>>, %arg9: memref<512x32xf32, #tpu.memory_space<vmem>>, %arg10: memref<512x32xf32, #tpu.memory_space<vmem>>, %arg11: memref<128x129xf32, #tpu.memory_space<vmem>>, %arg12: memref<128x129xf32, #tpu.memory_space<vmem>>, %arg13: memref<!tpu.dma_semaphore, #tpu.memory_space<semaphore_mem>>, %arg14: memref<!tpu.dma_semaphore, #tpu.memory_space<semaphore_mem>>, %arg15: memref<!tpu.dma_semaphore, #tpu.memory_space<semaphore_mem>>, %arg16: memref<!tpu.dma_semaphore, #tpu.memory_space<semaphore_mem>>) attributes {dimension_semantics = [#tpu.dimension_semantics<core_parallel>, #tpu.dimension_semantics<subcore_parallel>], iteration_bounds = array<i64: 2, 16>, scalar_prefetch = 0 : i64, scratch_operands = 11 : i64, tpu.core_type = #tpu.core_type<sc_vector_subcore>, window_params = [{transform_indices = #map}, {transform_indices = #map}, {transform_indices = #map}, {transform_indices = #map}]} {
    %mul3A = arith.constant 2 : i32
    %mul3A_0 = arith.muli %arg1, %mul3A : i32
    %add3A = arith.addi %mul3A_0, %arg0 : i32
    %mul3A_1 = arith.constant 128 : i32
    %mul3A_2 = arith.muli %add3A, %mul3A_1 : i32
    "tpu.region"() ({
      %run_scoped3A = tpu.sem_alloc : memref<!tpu.dma_semaphore, #tpu.memory_space<semaphore_mem>>
      tpu.enqueue_dma source(%arg4 : memref<200x32xf32, #tpu.memory_space<hbm>>) target(%arg6 : memref<200x32xf32, #tpu.memory_space<vmem>>) target_semaphore(%run_scoped3A : memref<!tpu.dma_semaphore, #tpu.memory_space<semaphore_mem>>)
      tpu.wait_dma2 semaphore(%run_scoped3A : memref<!tpu.dma_semaphore, #tpu.memory_space<semaphore_mem>>) src(%arg4 : memref<200x32xf32, #tpu.memory_space<hbm>>) dst(%arg6 : memref<200x32xf32, #tpu.memory_space<vmem>>)
      tpu.yield
    }) : () -> ()
    %iota3A = tpu.iota {dimensions = array<i32: 0>} : vector<16xi32>
    %add3A_3 = arith.constant 0 : i32
    %add3A_4 = vector.broadcast %add3A_3 : i32 to vector<16xi32>
    %add3A_5 = arith.addi %iota3A, %add3A_4 : vector<16xi32>
    %add3A_6 = arith.constant 16 : i32
    %add3A_7 = vector.broadcast %add3A_6 : i32 to vector<16xi32>
    %add3A_8 = arith.addi %iota3A, %add3A_7 : vector<16xi32>
    %add3A_9 = arith.constant 32 : i32
    %add3A_10 = vector.broadcast %add3A_9 : i32 to vector<16xi32>
    %add3A_11 = arith.addi %iota3A, %add3A_10 : vector<16xi32>
    %add3A_12 = arith.constant 48 : i32
    %add3A_13 = vector.broadcast %add3A_12 : i32 to vector<16xi32>
    %add3A_14 = arith.addi %iota3A, %add3A_13 : vector<16xi32>
    %add3A_15 = arith.constant 64 : i32
    %add3A_16 = vector.broadcast %add3A_15 : i32 to vector<16xi32>
    %add3A_17 = arith.addi %iota3A, %add3A_16 : vector<16xi32>
    %add3A_18 = arith.constant 80 : i32
    %add3A_19 = vector.broadcast %add3A_18 : i32 to vector<16xi32>
    %add3A_20 = arith.addi %iota3A, %add3A_19 : vector<16xi32>
    %add3A_21 = arith.constant 96 : i32
    %add3A_22 = vector.broadcast %add3A_21 : i32 to vector<16xi32>
    %add3A_23 = arith.addi %iota3A, %add3A_22 : vector<16xi32>
    %add3A_24 = arith.constant 112 : i32
    %add3A_25 = vector.broadcast %add3A_24 : i32 to vector<16xi32>
    %add3A_26 = arith.addi %iota3A, %add3A_25 : vector<16xi32>
    "tpu.region"() ({
      %run_scoped3A = tpu.sem_alloc : memref<!tpu.dma_semaphore, #tpu.memory_space<semaphore_mem>>
      %dma_start3A_131 = arith.constant 0 : i32
      %dma_start3A_132 = tpu.memref_slice %arg2[%dma_start3A_131, %mul3A_2] : memref<200x4096xi32, #tpu.memory_space<hbm>> -> memref<4x128xi32, #tpu.memory_space<hbm>>
      %dma_start3A_133 = arith.constant 0 : i32
      %dma_start3A_134 = tpu.memref_slice %arg2[%dma_start3A_133, %mul3A_2] : memref<200x4096xi32, #tpu.memory_space<hbm>> -> memref<4x128xi32, #tpu.memory_space<hbm>>
      tpu.enqueue_dma source(%dma_start3A_134 : memref<4x128xi32, #tpu.memory_space<hbm>>) target(%arg7 : memref<4x128xi32, #tpu.memory_space<vmem>>) target_semaphore(%run_scoped3A : memref<!tpu.dma_semaphore, #tpu.memory_space<semaphore_mem>>)
      %dma_wait3A_135 = arith.constant 0 : i32
      %dma_wait3A_136 = tpu.memref_slice %arg2[%dma_wait3A_135, %mul3A_2] : memref<200x4096xi32, #tpu.memory_space<hbm>> -> memref<4x128xi32, #tpu.memory_space<hbm>>
      %dma_wait3A_137 = arith.constant 0 : i32
      %dma_wait3A_138 = tpu.memref_slice %arg2[%dma_wait3A_137, %mul3A_2] : memref<200x4096xi32, #tpu.memory_space<hbm>> -> memref<4x128xi32, #tpu.memory_space<hbm>>
      tpu.wait_dma2 semaphore(%run_scoped3A : memref<!tpu.dma_semaphore, #tpu.memory_space<semaphore_mem>>) src(%dma_wait3A_138 : memref<4x128xi32, #tpu.memory_space<hbm>>) dst(%arg7 : memref<4x128xi32, #tpu.memory_space<vmem>>)
      tpu.yield
    }) : () -> ()
    %dma_start3A = arith.constant 0 : i32
    %dma_start3A_27 = arith.constant 0 : i32
    %dma_start3A_28 = arith.constant 0 : i32
    %dma_start3A_29 = tpu.memref_slice %arg9[%dma_start3A_27, %dma_start3A_28] : memref<512x32xf32, #tpu.memory_space<vmem>> -> memref<128x32xf32, #tpu.memory_space<vmem>>
    %dma_start3A_30 = arith.constant 0 : i32
    %dma_start3A_31 = tpu.memref_slice %arg7[%dma_start3A, %dma_start3A_30] : memref<4x128xi32, #tpu.memory_space<vmem>> -> memref<1x128xi32, #tpu.memory_space<vmem>>
    %dma_start3A_32 = tpu.memref_squeeze %dma_start3A_31 : memref<1x128xi32, #tpu.memory_space<vmem>> -> memref<128xi32, #tpu.memory_space<vmem>>
    %dma_start3A_33 = arith.constant 0 : i32
    %dma_start3A_34 = arith.constant 0 : i32
    %dma_start3A_35 = tpu.memref_slice %arg3[%dma_start3A_33, %dma_start3A_34] : memref<1000000x32xf32, #tpu.memory_space<hbm>> -> memref<1000000x32xf32, #tpu.memory_space<hbm>>
    tpu.enqueue_indirect_dma source(%dma_start3A_35 : memref<1000000x32xf32, #tpu.memory_space<hbm>>) target(%dma_start3A_29 : memref<128x32xf32, #tpu.memory_space<vmem>>) offsets(%dma_start3A_32 : memref<128xi32, #tpu.memory_space<vmem>>) semaphore(%arg13 : memref<!tpu.dma_semaphore, #tpu.memory_space<semaphore_mem>>)
    %dma_start3A_36 = arith.constant 1 : i32
    %dma_start3A_37 = arith.constant 128 : i32
    %dma_start3A_38 = arith.constant 0 : i32
    %dma_start3A_39 = tpu.memref_slice %arg9[%dma_start3A_37, %dma_start3A_38] : memref<512x32xf32, #tpu.memory_space<vmem>> -> memref<128x32xf32, #tpu.memory_space<vmem>>
    %dma_start3A_40 = arith.constant 0 : i32
    %dma_start3A_41 = tpu.memref_slice %arg7[%dma_start3A_36, %dma_start3A_40] : memref<4x128xi32, #tpu.memory_space<vmem>> -> memref<1x128xi32, #tpu.memory_space<vmem>>
    %dma_start3A_42 = tpu.memref_squeeze %dma_start3A_41 : memref<1x128xi32, #tpu.memory_space<vmem>> -> memref<128xi32, #tpu.memory_space<vmem>>
    %dma_start3A_43 = arith.constant 0 : i32
    %dma_start3A_44 = arith.constant 0 : i32
    %dma_start3A_45 = tpu.memref_slice %arg3[%dma_start3A_43, %dma_start3A_44] : memref<1000000x32xf32, #tpu.memory_space<hbm>> -> memref<1000000x32xf32, #tpu.memory_space<hbm>>
    tpu.enqueue_indirect_dma source(%dma_start3A_45 : memref<1000000x32xf32, #tpu.memory_space<hbm>>) target(%dma_start3A_39 : memref<128x32xf32, #tpu.memory_space<vmem>>) offsets(%dma_start3A_42 : memref<128xi32, #tpu.memory_space<vmem>>) semaphore(%arg13 : memref<!tpu.dma_semaphore, #tpu.memory_space<semaphore_mem>>)
    %dma_start3A_46 = arith.constant 2 : i32
    %dma_start3A_47 = arith.constant 256 : i32
    %dma_start3A_48 = arith.constant 0 : i32
    %dma_start3A_49 = tpu.memref_slice %arg9[%dma_start3A_47, %dma_start3A_48] : memref<512x32xf32, #tpu.memory_space<vmem>> -> memref<128x32xf32, #tpu.memory_space<vmem>>
    %dma_start3A_50 = arith.constant 0 : i32
    %dma_start3A_51 = tpu.memref_slice %arg7[%dma_start3A_46, %dma_start3A_50] : memref<4x128xi32, #tpu.memory_space<vmem>> -> memref<1x128xi32, #tpu.memory_space<vmem>>
    %dma_start3A_52 = tpu.memref_squeeze %dma_start3A_51 : memref<1x128xi32, #tpu.memory_space<vmem>> -> memref<128xi32, #tpu.memory_space<vmem>>
    %dma_start3A_53 = arith.constant 0 : i32
    %dma_start3A_54 = arith.constant 0 : i32
    %dma_start3A_55 = tpu.memref_slice %arg3[%dma_start3A_53, %dma_start3A_54] : memref<1000000x32xf32, #tpu.memory_space<hbm>> -> memref<1000000x32xf32, #tpu.memory_space<hbm>>
    tpu.enqueue_indirect_dma source(%dma_start3A_55 : memref<1000000x32xf32, #tpu.memory_space<hbm>>) target(%dma_start3A_49 : memref<128x32xf32, #tpu.memory_space<vmem>>) offsets(%dma_start3A_52 : memref<128xi32, #tpu.memory_space<vmem>>) semaphore(%arg13 : memref<!tpu.dma_semaphore, #tpu.memory_space<semaphore_mem>>)
    %dma_start3A_56 = arith.constant 3 : i32
    %dma_start3A_57 = arith.constant 384 : i32
    %dma_start3A_58 = arith.constant 0 : i32
    %dma_start3A_59 = tpu.memref_slice %arg9[%dma_start3A_57, %dma_start3A_58] : memref<512x32xf32, #tpu.memory_space<vmem>> -> memref<128x32xf32, #tpu.memory_space<vmem>>
    %dma_start3A_60 = arith.constant 0 : i32
    %dma_start3A_61 = tpu.memref_slice %arg7[%dma_start3A_56, %dma_start3A_60] : memref<4x128xi32, #tpu.memory_space<vmem>> -> memref<1x128xi32, #tpu.memory_space<vmem>>
    %dma_start3A_62 = tpu.memref_squeeze %dma_start3A_61 : memref<1x128xi32, #tpu.memory_space<vmem>> -> memref<128xi32, #tpu.memory_space<vmem>>
    %dma_start3A_63 = arith.constant 0 : i32
    %dma_start3A_64 = arith.constant 0 : i32
    %dma_start3A_65 = tpu.memref_slice %arg3[%dma_start3A_63, %dma_start3A_64] : memref<1000000x32xf32, #tpu.memory_space<hbm>> -> memref<1000000x32xf32, #tpu.memory_space<hbm>>
    tpu.enqueue_indirect_dma source(%dma_start3A_65 : memref<1000000x32xf32, #tpu.memory_space<hbm>>) target(%dma_start3A_59 : memref<128x32xf32, #tpu.memory_space<vmem>>) offsets(%dma_start3A_62 : memref<128xi32, #tpu.memory_space<vmem>>) semaphore(%arg13 : memref<!tpu.dma_semaphore, #tpu.memory_space<semaphore_mem>>)
    "tpu.region"() ({
      %run_scoped3A = tpu.sem_alloc : memref<!tpu.dma_semaphore, #tpu.memory_space<semaphore_mem>>
      %dma_start3A_131 = arith.constant 4 : i32
      %dma_start3A_132 = tpu.memref_slice %arg2[%dma_start3A_131, %mul3A_2] : memref<200x4096xi32, #tpu.memory_space<hbm>> -> memref<4x128xi32, #tpu.memory_space<hbm>>
      %dma_start3A_133 = arith.constant 4 : i32
      %dma_start3A_134 = tpu.memref_slice %arg2[%dma_start3A_133, %mul3A_2] : memref<200x4096xi32, #tpu.memory_space<hbm>> -> memref<4x128xi32, #tpu.memory_space<hbm>>
      tpu.enqueue_dma source(%dma_start3A_134 : memref<4x128xi32, #tpu.memory_space<hbm>>) target(%arg8 : memref<4x128xi32, #tpu.memory_space<vmem>>) target_semaphore(%run_scoped3A : memref<!tpu.dma_semaphore, #tpu.memory_space<semaphore_mem>>)
      %dma_wait3A_135 = arith.constant 4 : i32
      %dma_wait3A_136 = tpu.memref_slice %arg2[%dma_wait3A_135, %mul3A_2] : memref<200x4096xi32, #tpu.memory_space<hbm>> -> memref<4x128xi32, #tpu.memory_space<hbm>>
      %dma_wait3A_137 = arith.constant 4 : i32
      %dma_wait3A_138 = tpu.memref_slice %arg2[%dma_wait3A_137, %mul3A_2] : memref<200x4096xi32, #tpu.memory_space<hbm>> -> memref<4x128xi32, #tpu.memory_space<hbm>>
      tpu.wait_dma2 semaphore(%run_scoped3A : memref<!tpu.dma_semaphore, #tpu.memory_space<semaphore_mem>>) src(%dma_wait3A_138 : memref<4x128xi32, #tpu.memory_space<hbm>>) dst(%arg8 : memref<4x128xi32, #tpu.memory_space<vmem>>)
      tpu.yield
    }) : () -> ()
    %dma_start3A_66 = arith.constant 0 : i32
    %dma_start3A_67 = arith.constant 0 : i32
    %dma_start3A_68 = arith.constant 0 : i32
    %dma_start3A_69 = tpu.memref_slice %arg10[%dma_start3A_67, %dma_start3A_68] : memref<512x32xf32, #tpu.memory_space<vmem>> -> memref<128x32xf32, #tpu.memory_space<vmem>>
    %dma_start3A_70 = arith.constant 0 : i32
    %dma_start3A_71 = tpu.memref_slice %arg8[%dma_start3A_66, %dma_start3A_70] : memref<4x128xi32, #tpu.memory_space<vmem>> -> memref<1x128xi32, #tpu.memory_space<vmem>>
    %dma_start3A_72 = tpu.memref_squeeze %dma_start3A_71 : memref<1x128xi32, #tpu.memory_space<vmem>> -> memref<128xi32, #tpu.memory_space<vmem>>
    %dma_start3A_73 = arith.constant 0 : i32
    %dma_start3A_74 = arith.constant 0 : i32
    %dma_start3A_75 = tpu.memref_slice %arg3[%dma_start3A_73, %dma_start3A_74] : memref<1000000x32xf32, #tpu.memory_space<hbm>> -> memref<1000000x32xf32, #tpu.memory_space<hbm>>
    tpu.enqueue_indirect_dma source(%dma_start3A_75 : memref<1000000x32xf32, #tpu.memory_space<hbm>>) target(%dma_start3A_69 : memref<128x32xf32, #tpu.memory_space<vmem>>) offsets(%dma_start3A_72 : memref<128xi32, #tpu.memory_space<vmem>>) semaphore(%arg14 : memref<!tpu.dma_semaphore, #tpu.memory_space<semaphore_mem>>)
    %dma_start3A_76 = arith.constant 1 : i32
    %dma_start3A_77 = arith.constant 128 : i32
    %dma_start3A_78 = arith.constant 0 : i32
    %dma_start3A_79 = tpu.memref_slice %arg10[%dma_start3A_77, %dma_start3A_78] : memref<512x32xf32, #tpu.memory_space<vmem>> -> memref<128x32xf32, #tpu.memory_space<vmem>>
    %dma_start3A_80 = arith.constant 0 : i32
    %dma_start3A_81 = tpu.memref_slice %arg8[%dma_start3A_76, %dma_start3A_80] : memref<4x128xi32, #tpu.memory_space<vmem>> -> memref<1x128xi32, #tpu.memory_space<vmem>>
    %dma_start3A_82 = tpu.memref_squeeze %dma_start3A_81 : memref<1x128xi32, #tpu.memory_space<vmem>> -> memref<128xi32, #tpu.memory_space<vmem>>
    %dma_start3A_83 = arith.constant 0 : i32
    %dma_start3A_84 = arith.constant 0 : i32
    %dma_start3A_85 = tpu.memref_slice %arg3[%dma_start3A_83, %dma_start3A_84] : memref<1000000x32xf32, #tpu.memory_space<hbm>> -> memref<1000000x32xf32, #tpu.memory_space<hbm>>
    tpu.enqueue_indirect_dma source(%dma_start3A_85 : memref<1000000x32xf32, #tpu.memory_space<hbm>>) target(%dma_start3A_79 : memref<128x32xf32, #tpu.memory_space<vmem>>) offsets(%dma_start3A_82 : memref<128xi32, #tpu.memory_space<vmem>>) semaphore(%arg14 : memref<!tpu.dma_semaphore, #tpu.memory_space<semaphore_mem>>)
    %dma_start3A_86 = arith.constant 2 : i32
    %dma_start3A_87 = arith.constant 256 : i32
    %dma_start3A_88 = arith.constant 0 : i32
    %dma_start3A_89 = tpu.memref_slice %arg10[%dma_start3A_87, %dma_start3A_88] : memref<512x32xf32, #tpu.memory_space<vmem>> -> memref<128x32xf32, #tpu.memory_space<vmem>>
    %dma_start3A_90 = arith.constant 0 : i32
    %dma_start3A_91 = tpu.memref_slice %arg8[%dma_start3A_86, %dma_start3A_90] : memref<4x128xi32, #tpu.memory_space<vmem>> -> memref<1x128xi32, #tpu.memory_space<vmem>>
    %dma_start3A_92 = tpu.memref_squeeze %dma_start3A_91 : memref<1x128xi32, #tpu.memory_space<vmem>> -> memref<128xi32, #tpu.memory_space<vmem>>
    %dma_start3A_93 = arith.constant 0 : i32
    %dma_start3A_94 = arith.constant 0 : i32
    %dma_start3A_95 = tpu.memref_slice %arg3[%dma_start3A_93, %dma_start3A_94] : memref<1000000x32xf32, #tpu.memory_space<hbm>> -> memref<1000000x32xf32, #tpu.memory_space<hbm>>
    tpu.enqueue_indirect_dma source(%dma_start3A_95 : memref<1000000x32xf32, #tpu.memory_space<hbm>>) target(%dma_start3A_89 : memref<128x32xf32, #tpu.memory_space<vmem>>) offsets(%dma_start3A_92 : memref<128xi32, #tpu.memory_space<vmem>>) semaphore(%arg14 : memref<!tpu.dma_semaphore, #tpu.memory_space<semaphore_mem>>)
    %dma_start3A_96 = arith.constant 3 : i32
    %dma_start3A_97 = arith.constant 384 : i32
    %dma_start3A_98 = arith.constant 0 : i32
    %dma_start3A_99 = tpu.memref_slice %arg10[%dma_start3A_97, %dma_start3A_98] : memref<512x32xf32, #tpu.memory_space<vmem>> -> memref<128x32xf32, #tpu.memory_space<vmem>>
    %dma_start3A_100 = arith.constant 0 : i32
    %dma_start3A_101 = tpu.memref_slice %arg8[%dma_start3A_96, %dma_start3A_100] : memref<4x128xi32, #tpu.memory_space<vmem>> -> memref<1x128xi32, #tpu.memory_space<vmem>>
    %dma_start3A_102 = tpu.memref_squeeze %dma_start3A_101 : memref<1x128xi32, #tpu.memory_space<vmem>> -> memref<128xi32, #tpu.memory_space<vmem>>
    %dma_start3A_103 = arith.constant 0 : i32
    %dma_start3A_104 = arith.constant 0 : i32
    %dma_start3A_105 = tpu.memref_slice %arg3[%dma_start3A_103, %dma_start3A_104] : memref<1000000x32xf32, #tpu.memory_space<hbm>> -> memref<1000000x32xf32, #tpu.memory_space<hbm>>
    tpu.enqueue_indirect_dma source(%dma_start3A_105 : memref<1000000x32xf32, #tpu.memory_space<hbm>>) target(%dma_start3A_99 : memref<128x32xf32, #tpu.memory_space<vmem>>) offsets(%dma_start3A_102 : memref<128xi32, #tpu.memory_space<vmem>>) semaphore(%arg14 : memref<!tpu.dma_semaphore, #tpu.memory_space<semaphore_mem>>)
    %scan3A = arith.constant 0 : i32
    %scan3A_106 = arith.constant 0 : i32
    %scan3A_107 = arith.constant 25 : i32
    %scan3A_108 = arith.addi %scan3A_106, %scan3A_107 : i32
    %scan3A_109 = arith.constant 1 : i32
    %scan3A_110 = scf.for %scan3A_131 = %scan3A_106 to %scan3A_108 step %scan3A_109 iter_args(%scan3A_132 = %scan3A) -> (i32)  : i32 {
      %mul3A_133 = arith.constant 2 : i32
      %mul3A_134 = arith.muli %scan3A_131, %mul3A_133 : i32
      %add3A_135 = arith.constant 0 : i32
      %add3A_136 = arith.addi %mul3A_134, %add3A_135 : i32
      %dma_wait3A_137 = arith.constant 0 : i32
      %dma_wait3A_138 = arith.constant 0 : i32
      %dma_wait3A_139 = arith.constant 0 : i32
      %dma_wait3A_140 = tpu.memref_slice %arg9[%dma_wait3A_138, %dma_wait3A_139] : memref<512x32xf32, #tpu.memory_space<vmem>> -> memref<128x32xf32, #tpu.memory_space<vmem>>
      %dma_wait3A_141 = arith.constant 0 : i32
      %dma_wait3A_142 = tpu.memref_slice %arg7[%dma_wait3A_137, %dma_wait3A_141] : memref<4x128xi32, #tpu.memory_space<vmem>> -> memref<1x128xi32, #tpu.memory_space<vmem>>
      %dma_wait3A_143 = tpu.memref_squeeze %dma_wait3A_142 : memref<1x128xi32, #tpu.memory_space<vmem>> -> memref<128xi32, #tpu.memory_space<vmem>>
      %dma_wait3A_144 = arith.constant 0 : i32
      %dma_wait3A_145 = arith.constant 0 : i32
      %dma_wait3A_146 = tpu.memref_slice %arg3[%dma_wait3A_144, %dma_wait3A_145] : memref<1000000x32xf32, #tpu.memory_space<hbm>> -> memref<1000000x32xf32, #tpu.memory_space<hbm>>
      tpu.wait_indirect_dma semaphore(%arg13 : memref<!tpu.dma_semaphore, #tpu.memory_space<semaphore_mem>>) src(%dma_wait3A_146 : memref<1000000x32xf32, #tpu.memory_space<hbm>>) dst(%dma_wait3A_140 : memref<128x32xf32, #tpu.memory_space<vmem>>)
      %dma_wait3A_147 = arith.constant 1 : i32
      %dma_wait3A_148 = arith.constant 128 : i32
      %dma_wait3A_149 = arith.constant 0 : i32
      %dma_wait3A_150 = tpu.memref_slice %arg9[%dma_wait3A_148, %dma_wait3A_149] : memref<512x32xf32, #tpu.memory_space<vmem>> -> memref<128x32xf32, #tpu.memory_space<vmem>>
      %dma_wait3A_151 = arith.constant 0 : i32
      %dma_wait3A_152 = tpu.memref_slice %arg7[%dma_wait3A_147, %dma_wait3A_151] : memref<4x128xi32, #tpu.memory_space<vmem>> -> memref<1x128xi32, #tpu.memory_space<vmem>>
      %dma_wait3A_153 = tpu.memref_squeeze %dma_wait3A_152 : memref<1x128xi32, #tpu.memory_space<vmem>> -> memref<128xi32, #tpu.memory_space<vmem>>
      %dma_wait3A_154 = arith.constant 0 : i32
      %dma_wait3A_155 = arith.constant 0 : i32
      %dma_wait3A_156 = tpu.memref_slice %arg3[%dma_wait3A_154, %dma_wait3A_155] : memref<1000000x32xf32, #tpu.memory_space<hbm>> -> memref<1000000x32xf32, #tpu.memory_space<hbm>>
      tpu.wait_indirect_dma semaphore(%arg13 : memref<!tpu.dma_semaphore, #tpu.memory_space<semaphore_mem>>) src(%dma_wait3A_156 : memref<1000000x32xf32, #tpu.memory_space<hbm>>) dst(%dma_wait3A_150 : memref<128x32xf32, #tpu.memory_space<vmem>>)
      %dma_wait3A_157 = arith.constant 2 : i32
      %dma_wait3A_158 = arith.constant 256 : i32
      %dma_wait3A_159 = arith.constant 0 : i32
      %dma_wait3A_160 = tpu.memref_slice %arg9[%dma_wait3A_158, %dma_wait3A_159] : memref<512x32xf32, #tpu.memory_space<vmem>> -> memref<128x32xf32, #tpu.memory_space<vmem>>
      %dma_wait3A_161 = arith.constant 0 : i32
      %dma_wait3A_162 = tpu.memref_slice %arg7[%dma_wait3A_157, %dma_wait3A_161] : memref<4x128xi32, #tpu.memory_space<vmem>> -> memref<1x128xi32, #tpu.memory_space<vmem>>
      %dma_wait3A_163 = tpu.memref_squeeze %dma_wait3A_162 : memref<1x128xi32, #tpu.memory_space<vmem>> -> memref<128xi32, #tpu.memory_space<vmem>>
      %dma_wait3A_164 = arith.constant 0 : i32
      %dma_wait3A_165 = arith.constant 0 : i32
      %dma_wait3A_166 = tpu.memref_slice %arg3[%dma_wait3A_164, %dma_wait3A_165] : memref<1000000x32xf32, #tpu.memory_space<hbm>> -> memref<1000000x32xf32, #tpu.memory_space<hbm>>
      tpu.wait_indirect_dma semaphore(%arg13 : memref<!tpu.dma_semaphore, #tpu.memory_space<semaphore_mem>>) src(%dma_wait3A_166 : memref<1000000x32xf32, #tpu.memory_space<hbm>>) dst(%dma_wait3A_160 : memref<128x32xf32, #tpu.memory_space<vmem>>)
      %dma_wait3A_167 = arith.constant 3 : i32
      %dma_wait3A_168 = arith.constant 384 : i32
      %dma_wait3A_169 = arith.constant 0 : i32
      %dma_wait3A_170 = tpu.memref_slice %arg9[%dma_wait3A_168, %dma_wait3A_169] : memref<512x32xf32, #tpu.memory_space<vmem>> -> memref<128x32xf32, #tpu.memory_space<vmem>>
      %dma_wait3A_171 = arith.constant 0 : i32
      %dma_wait3A_172 = tpu.memref_slice %arg7[%dma_wait3A_167, %dma_wait3A_171] : memref<4x128xi32, #tpu.memory_space<vmem>> -> memref<1x128xi32, #tpu.memory_space<vmem>>
      %dma_wait3A_173 = tpu.memref_squeeze %dma_wait3A_172 : memref<1x128xi32, #tpu.memory_space<vmem>> -> memref<128xi32, #tpu.memory_space<vmem>>
      %dma_wait3A_174 = arith.constant 0 : i32
      %dma_wait3A_175 = arith.constant 0 : i32
      %dma_wait3A_176 = tpu.memref_slice %arg3[%dma_wait3A_174, %dma_wait3A_175] : memref<1000000x32xf32, #tpu.memory_space<hbm>> -> memref<1000000x32xf32, #tpu.memory_space<hbm>>
      tpu.wait_indirect_dma semaphore(%arg13 : memref<!tpu.dma_semaphore, #tpu.memory_space<semaphore_mem>>) src(%dma_wait3A_176 : memref<1000000x32xf32, #tpu.memory_space<hbm>>) dst(%dma_wait3A_170 : memref<128x32xf32, #tpu.memory_space<vmem>>)
      %ge3A = arith.constant 2 : i32
      %ge3A_177 = arith.cmpi sge, %add3A_136, %ge3A : i32
      %convert_element_type3A = arith.extui %ge3A_177 : i1 to i32
      %cond3A = arith.constant 0 : i32
      %cond3A_178 = arith.cmpi ne, %convert_element_type3A, %cond3A : i32
      scf.if %cond3A_178 {
        %sub3A = arith.constant 2 : i32
        %sub3A_412 = arith.subi %add3A_136, %sub3A : i32
        %mul3A_413 = arith.constant 128 : i32
        %mul3A_414 = arith.muli %sub3A_412, %mul3A_413 : i32
        %dma_wait3A_415 = arith.constant 0 : i32
        %dma_wait3A_416 = arith.constant 0 : i32
        %dma_wait3A_417 = tpu.memref_slice %arg11[%dma_wait3A_415, %dma_wait3A_416] : memref<128x129xf32, #tpu.memory_space<vmem>> -> memref<128x128xf32, #tpu.memory_space<vmem>>
        %dma_wait3A_418 = tpu.memref_slice %arg5[%mul3A_414, %mul3A_2] : memref<6400x4096xf32, #tpu.memory_space<hbm>> -> memref<128x128xf32, #tpu.memory_space<hbm>>
        %dma_wait3A_419 = tpu.memref_slice %arg5[%mul3A_414, %mul3A_2] : memref<6400x4096xf32, #tpu.memory_space<hbm>> -> memref<128x128xf32, #tpu.memory_space<hbm>>
        %dma_wait3A_420 = arith.constant 0 : i32
        %dma_wait3A_421 = arith.constant 0 : i32
        %dma_wait3A_422 = tpu.memref_slice %arg11[%dma_wait3A_420, %dma_wait3A_421] : memref<128x129xf32, #tpu.memory_space<vmem>> -> memref<128x128xf32, #tpu.memory_space<vmem>>
        tpu.wait_dma2 semaphore(%arg15 : memref<!tpu.dma_semaphore, #tpu.memory_space<semaphore_mem>>) src(%dma_wait3A_422 : memref<128x128xf32, #tpu.memory_space<vmem>>) dst(%dma_wait3A_419 : memref<128x128xf32, #tpu.memory_space<hbm>>)
      } else {
      }
      %mul3A_179 = arith.constant 4 : i32
      %mul3A_180 = arith.muli %add3A_136, %mul3A_179 : i32
      %add3A_181 = arith.constant 0 : i32
      %add3A_182 = arith.addi %mul3A_180, %add3A_181 : i32
      %get3A = arith.index_cast %add3A_182 : i32 to index
      %get3A_183 = arith.constant 0 : index
      %get3A_184 = tpu.vector_load %arg6[%get3A, %get3A_183] {strides = array<i32>} : memref<200x32xf32, #tpu.memory_space<vmem>>, vector<16xf32>,
      %get3A_185 = arith.index_cast %add3A_182 : i32 to index
      %get3A_186 = arith.constant 16 : index
      %get3A_187 = tpu.vector_load %arg6[%get3A_185, %get3A_186] {strides = array<i32>} : memref<200x32xf32, #tpu.memory_space<vmem>>, vector<16xf32>,
      %add3A_188 = arith.constant 0 : i32
      %add3A_189 = vector.broadcast %add3A_188 : i32 to vector<16xi32>
      %add3A_190 = arith.addi %iota3A, %add3A_189 : vector<16xi32>
      %add3A_191 = arith.constant 16 : i32
      %add3A_192 = vector.broadcast %add3A_191 : i32 to vector<16xi32>
      %add3A_193 = arith.addi %add3A_190, %add3A_192 : vector<16xi32>
      %parallel_loop3A = arith.constant 0 : i32
      %parallel_loop3A_194 = arith.constant 128 : i32
      %parallel_loop3A_195 = arith.constant 1 : i32
      scf.for %parallel_loop3A_412 = %parallel_loop3A to %parallel_loop3A_194 step %parallel_loop3A_195  : i32 {
        %parallel_loop3A_413 = arith.constant 0 : i32
        %parallel_loop3A_414 = arith.addi %parallel_loop3A_413, %parallel_loop3A_412 : i32
        %parallel_loop3A_415 = vector.broadcast %parallel_loop3A_412 : i32 to vector<16xi32>
        %parallel_loop3A_416 = arith.index_cast %parallel_loop3A_414 : i32 to index
        %parallel_loop3A_417 = arith.constant 0 : index
        %parallel_loop3A_418 = tpu.vector_load %arg9[%parallel_loop3A_416, %parallel_loop3A_417] {strides = array<i32>} : memref<512x32xf32, #tpu.memory_space<vmem>>, vector<16xf32>,
        %parallel_loop3A_419 = arith.addf %parallel_loop3A_418, %get3A_184 : vector<16xf32>
        %parallel_loop3A_420 = arith.index_cast %parallel_loop3A_414 : i32 to index
        %parallel_loop3A_421 = arith.constant 16 : index
        %parallel_loop3A_422 = tpu.vector_load %arg9[%parallel_loop3A_420, %parallel_loop3A_421] {strides = array<i32>} : memref<512x32xf32, #tpu.memory_space<vmem>>, vector<16xf32>,
        %parallel_loop3A_423 = arith.addf %parallel_loop3A_422, %get3A_187 : vector<16xf32>
        tpu.vector_store_idx %arg11[%add3A_190, %parallel_loop3A_415], %parallel_loop3A_419 : memref<128x129xf32, #tpu.memory_space<vmem>>[vector<16xi32>, vector<16xi32>], vector<16xf32>,
        tpu.vector_store_idx %arg11[%add3A_193, %parallel_loop3A_415], %parallel_loop3A_423 : memref<128x129xf32, #tpu.memory_space<vmem>>[vector<16xi32>, vector<16xi32>], vector<16xf32>,
      } {sc.loop_unroll_factor = 4 : i64, sc.parallel_access}
      %mul3A_196 = arith.constant 4 : i32
      %mul3A_197 = arith.muli %add3A_136, %mul3A_196 : i32
      %add3A_198 = arith.constant 1 : i32
      %add3A_199 = arith.addi %mul3A_197, %add3A_198 : i32
      %get3A_200 = arith.index_cast %add3A_199 : i32 to index
      %get3A_201 = arith.constant 0 : index
      %get3A_202 = tpu.vector_load %arg6[%get3A_200, %get3A_201] {strides = array<i32>} : memref<200x32xf32, #tpu.memory_space<vmem>>, vector<16xf32>,
      %get3A_203 = arith.index_cast %add3A_199 : i32 to index
      %get3A_204 = arith.constant 16 : index
      %get3A_205 = tpu.vector_load %arg6[%get3A_203, %get3A_204] {strides = array<i32>} : memref<200x32xf32, #tpu.memory_space<vmem>>, vector<16xf32>,
      %add3A_206 = arith.constant 32 : i32
      %add3A_207 = vector.broadcast %add3A_206 : i32 to vector<16xi32>
      %add3A_208 = arith.addi %iota3A, %add3A_207 : vector<16xi32>
      %add3A_209 = arith.constant 16 : i32
      %add3A_210 = vector.broadcast %add3A_209 : i32 to vector<16xi32>
      %add3A_211 = arith.addi %add3A_208, %add3A_210 : vector<16xi32>
      %parallel_loop3A_212 = arith.constant 0 : i32
      %parallel_loop3A_213 = arith.constant 128 : i32
      %parallel_loop3A_214 = arith.constant 1 : i32
      scf.for %parallel_loop3A_412 = %parallel_loop3A_212 to %parallel_loop3A_213 step %parallel_loop3A_214  : i32 {
        %parallel_loop3A_413 = arith.constant 128 : i32
        %parallel_loop3A_414 = arith.addi %parallel_loop3A_413, %parallel_loop3A_412 : i32
        %parallel_loop3A_415 = vector.broadcast %parallel_loop3A_412 : i32 to vector<16xi32>
        %parallel_loop3A_416 = arith.index_cast %parallel_loop3A_414 : i32 to index
        %parallel_loop3A_417 = arith.constant 0 : index
        %parallel_loop3A_418 = tpu.vector_load %arg9[%parallel_loop3A_416, %parallel_loop3A_417] {strides = array<i32>} : memref<512x32xf32, #tpu.memory_space<vmem>>, vector<16xf32>,
        %parallel_loop3A_419 = arith.addf %parallel_loop3A_418, %get3A_202 : vector<16xf32>
        %parallel_loop3A_420 = arith.index_cast %parallel_loop3A_414 : i32 to index
        %parallel_loop3A_421 = arith.constant 16 : index
        %parallel_loop3A_422 = tpu.vector_load %arg9[%parallel_loop3A_420, %parallel_loop3A_421] {strides = array<i32>} : memref<512x32xf32, #tpu.memory_space<vmem>>, vector<16xf32>,
        %parallel_loop3A_423 = arith.addf %parallel_loop3A_422, %get3A_205 : vector<16xf32>
        tpu.vector_store_idx %arg11[%add3A_208, %parallel_loop3A_415], %parallel_loop3A_419 : memref<128x129xf32, #tpu.memory_space<vmem>>[vector<16xi32>, vector<16xi32>], vector<16xf32>,
        tpu.vector_store_idx %arg11[%add3A_211, %parallel_loop3A_415], %parallel_loop3A_423 : memref<128x129xf32, #tpu.memory_space<vmem>>[vector<16xi32>, vector<16xi32>], vector<16xf32>,
      } {sc.loop_unroll_factor = 4 : i64, sc.parallel_access}
      %mul3A_215 = arith.constant 4 : i32
      %mul3A_216 = arith.muli %add3A_136, %mul3A_215 : i32
      %add3A_217 = arith.constant 2 : i32
      %add3A_218 = arith.addi %mul3A_216, %add3A_217 : i32
      %get3A_219 = arith.index_cast %add3A_218 : i32 to index
      %get3A_220 = arith.constant 0 : index
      %get3A_221 = tpu.vector_load %arg6[%get3A_219, %get3A_220] {strides = array<i32>} : memref<200x32xf32, #tpu.memory_space<vmem>>, vector<16xf32>,
      %get3A_222 = arith.index_cast %add3A_218 : i32 to index
      %get3A_223 = arith.constant 16 : index
      %get3A_224 = tpu.vector_load %arg6[%get3A_222, %get3A_223] {strides = array<i32>} : memref<200x32xf32, #tpu.memory_space<vmem>>, vector<16xf32>,
      %add3A_225 = arith.constant 64 : i32
      %add3A_226 = vector.broadcast %add3A_225 : i32 to vector<16xi32>
      %add3A_227 = arith.addi %iota3A, %add3A_226 : vector<16xi32>
      %add3A_228 = arith.constant 16 : i32
      %add3A_229 = vector.broadcast %add3A_228 : i32 to vector<16xi32>
      %add3A_230 = arith.addi %add3A_227, %add3A_229 : vector<16xi32>
      %parallel_loop3A_231 = arith.constant 0 : i32
      %parallel_loop3A_232 = arith.constant 128 : i32
      %parallel_loop3A_233 = arith.constant 1 : i32
      scf.for %parallel_loop3A_412 = %parallel_loop3A_231 to %parallel_loop3A_232 step %parallel_loop3A_233  : i32 {
        %parallel_loop3A_413 = arith.constant 256 : i32
        %parallel_loop3A_414 = arith.addi %parallel_loop3A_413, %parallel_loop3A_412 : i32
        %parallel_loop3A_415 = vector.broadcast %parallel_loop3A_412 : i32 to vector<16xi32>
        %parallel_loop3A_416 = arith.index_cast %parallel_loop3A_414 : i32 to index
        %parallel_loop3A_417 = arith.constant 0 : index
        %parallel_loop3A_418 = tpu.vector_load %arg9[%parallel_loop3A_416, %parallel_loop3A_417] {strides = array<i32>} : memref<512x32xf32, #tpu.memory_space<vmem>>, vector<16xf32>,
        %parallel_loop3A_419 = arith.addf %parallel_loop3A_418, %get3A_221 : vector<16xf32>
        %parallel_loop3A_420 = arith.index_cast %parallel_loop3A_414 : i32 to index
        %parallel_loop3A_421 = arith.constant 16 : index
        %parallel_loop3A_422 = tpu.vector_load %arg9[%parallel_loop3A_420, %parallel_loop3A_421] {strides = array<i32>} : memref<512x32xf32, #tpu.memory_space<vmem>>, vector<16xf32>,
        %parallel_loop3A_423 = arith.addf %parallel_loop3A_422, %get3A_224 : vector<16xf32>
        tpu.vector_store_idx %arg11[%add3A_227, %parallel_loop3A_415], %parallel_loop3A_419 : memref<128x129xf32, #tpu.memory_space<vmem>>[vector<16xi32>, vector<16xi32>], vector<16xf32>,
        tpu.vector_store_idx %arg11[%add3A_230, %parallel_loop3A_415], %parallel_loop3A_423 : memref<128x129xf32, #tpu.memory_space<vmem>>[vector<16xi32>, vector<16xi32>], vector<16xf32>,
      } {sc.loop_unroll_factor = 4 : i64, sc.parallel_access}
      %mul3A_234 = arith.constant 4 : i32
      %mul3A_235 = arith.muli %add3A_136, %mul3A_234 : i32
      %add3A_236 = arith.constant 3 : i32
      %add3A_237 = arith.addi %mul3A_235, %add3A_236 : i32
      %get3A_238 = arith.index_cast %add3A_237 : i32 to index
      %get3A_239 = arith.constant 0 : index
      %get3A_240 = tpu.vector_load %arg6[%get3A_238, %get3A_239] {strides = array<i32>} : memref<200x32xf32, #tpu.memory_space<vmem>>, vector<16xf32>,
      %get3A_241 = arith.index_cast %add3A_237 : i32 to index
      %get3A_242 = arith.constant 16 : index
      %get3A_243 = tpu.vector_load %arg6[%get3A_241, %get3A_242] {strides = array<i32>} : memref<200x32xf32, #tpu.memory_space<vmem>>, vector<16xf32>,
      %add3A_244 = arith.constant 96 : i32
      %add3A_245 = vector.broadcast %add3A_244 : i32 to vector<16xi32>
      %add3A_246 = arith.addi %iota3A, %add3A_245 : vector<16xi32>
      %add3A_247 = arith.constant 16 : i32
      %add3A_248 = vector.broadcast %add3A_247 : i32 to vector<16xi32>
      %add3A_249 = arith.addi %add3A_246, %add3A_248 : vector<16xi32>
      %parallel_loop3A_250 = arith.constant 0 : i32
      %parallel_loop3A_251 = arith.constant 128 : i32
      %parallel_loop3A_252 = arith.constant 1 : i32
      scf.for %parallel_loop3A_412 = %parallel_loop3A_250 to %parallel_loop3A_251 step %parallel_loop3A_252  : i32 {
        %parallel_loop3A_413 = arith.constant 384 : i32
        %parallel_loop3A_414 = arith.addi %parallel_loop3A_413, %parallel_loop3A_412 : i32
        %parallel_loop3A_415 = vector.broadcast %parallel_loop3A_412 : i32 to vector<16xi32>
        %parallel_loop3A_416 = arith.index_cast %parallel_loop3A_414 : i32 to index
        %parallel_loop3A_417 = arith.constant 0 : index
        %parallel_loop3A_418 = tpu.vector_load %arg9[%parallel_loop3A_416, %parallel_loop3A_417] {strides = array<i32>} : memref<512x32xf32, #tpu.memory_space<vmem>>, vector<16xf32>,
        %parallel_loop3A_419 = arith.addf %parallel_loop3A_418, %get3A_240 : vector<16xf32>
        %parallel_loop3A_420 = arith.index_cast %parallel_loop3A_414 : i32 to index
        %parallel_loop3A_421 = arith.constant 16 : index
        %parallel_loop3A_422 = tpu.vector_load %arg9[%parallel_loop3A_420, %parallel_loop3A_421] {strides = array<i32>} : memref<512x32xf32, #tpu.memory_space<vmem>>, vector<16xf32>,
        %parallel_loop3A_423 = arith.addf %parallel_loop3A_422, %get3A_243 : vector<16xf32>
        tpu.vector_store_idx %arg11[%add3A_246, %parallel_loop3A_415], %parallel_loop3A_419 : memref<128x129xf32, #tpu.memory_space<vmem>>[vector<16xi32>, vector<16xi32>], vector<16xf32>,
        tpu.vector_store_idx %arg11[%add3A_249, %parallel_loop3A_415], %parallel_loop3A_423 : memref<128x129xf32, #tpu.memory_space<vmem>>[vector<16xi32>, vector<16xi32>], vector<16xf32>,
      } {sc.loop_unroll_factor = 4 : i64, sc.parallel_access}
      %mul3A_253 = arith.constant 128 : i32
      %mul3A_254 = arith.muli %add3A_136, %mul3A_253 : i32
      %dma_start3A_255 = arith.constant 0 : i32
      %dma_start3A_256 = arith.constant 0 : i32
      %dma_start3A_257 = tpu.memref_slice %arg11[%dma_start3A_255, %dma_start3A_256] : memref<128x129xf32, #tpu.memory_space<vmem>> -> memref<128x128xf32, #tpu.memory_space<vmem>>
      %dma_start3A_258 = tpu.memref_slice %arg5[%mul3A_254, %mul3A_2] : memref<6400x4096xf32, #tpu.memory_space<hbm>> -> memref<128x128xf32, #tpu.memory_space<hbm>>
      %dma_start3A_259 = tpu.memref_slice %arg5[%mul3A_254, %mul3A_2] : memref<6400x4096xf32, #tpu.memory_space<hbm>> -> memref<128x128xf32, #tpu.memory_space<hbm>>
      %dma_start3A_260 = arith.constant 0 : i32
      %dma_start3A_261 = arith.constant 0 : i32
      %dma_start3A_262 = tpu.memref_slice %arg11[%dma_start3A_260, %dma_start3A_261] : memref<128x129xf32, #tpu.memory_space<vmem>> -> memref<128x128xf32, #tpu.memory_space<vmem>>
      tpu.enqueue_dma source(%dma_start3A_262 : memref<128x128xf32, #tpu.memory_space<vmem>>) target(%dma_start3A_259 : memref<128x128xf32, #tpu.memory_space<hbm>>) target_semaphore(%arg15 : memref<!tpu.dma_semaphore, #tpu.memory_space<semaphore_mem>>)
      %add3A_263 = arith.constant 2 : i32
      %add3A_264 = arith.addi %add3A_136, %add3A_263 : i32
      %lt3A = arith.constant 50 : i32
      %lt3A_265 = arith.cmpi slt, %add3A_264, %lt3A : i32
      %convert_element_type3A_266 = arith.extui %lt3A_265 : i1 to i32
      %cond3A_267 = arith.constant 0 : i32
      %cond3A_268 = arith.cmpi ne, %convert_element_type3A_266, %cond3A_267 : i32
      scf.if %cond3A_268 {
        %add3A_412 = arith.constant 2 : i32
        %add3A_413 = arith.addi %add3A_136, %add3A_412 : i32
        %mul3A_414 = arith.constant 4 : i32
        %mul3A_415 = arith.muli %add3A_413, %mul3A_414 : i32
        "tpu.region"() ({
          %run_scoped3A = tpu.sem_alloc : memref<!tpu.dma_semaphore, #tpu.memory_space<semaphore_mem>>
          %dma_start3A_456 = tpu.memref_slice %arg2[%mul3A_415, %mul3A_2] : memref<200x4096xi32, #tpu.memory_space<hbm>> -> memref<4x128xi32, #tpu.memory_space<hbm>>
          %dma_start3A_457 = tpu.memref_slice %arg2[%mul3A_415, %mul3A_2] : memref<200x4096xi32, #tpu.memory_space<hbm>> -> memref<4x128xi32, #tpu.memory_space<hbm>>
          tpu.enqueue_dma source(%dma_start3A_457 : memref<4x128xi32, #tpu.memory_space<hbm>>) target(%arg7 : memref<4x128xi32, #tpu.memory_space<vmem>>) target_semaphore(%run_scoped3A : memref<!tpu.dma_semaphore, #tpu.memory_space<semaphore_mem>>)
          %dma_wait3A_458 = tpu.memref_slice %arg2[%mul3A_415, %mul3A_2] : memref<200x4096xi32, #tpu.memory_space<hbm>> -> memref<4x128xi32, #tpu.memory_space<hbm>>
          %dma_wait3A_459 = tpu.memref_slice %arg2[%mul3A_415, %mul3A_2] : memref<200x4096xi32, #tpu.memory_space<hbm>> -> memref<4x128xi32, #tpu.memory_space<hbm>>
          tpu.wait_dma2 semaphore(%run_scoped3A : memref<!tpu.dma_semaphore, #tpu.memory_space<semaphore_mem>>) src(%dma_wait3A_459 : memref<4x128xi32, #tpu.memory_space<hbm>>) dst(%arg7 : memref<4x128xi32, #tpu.memory_space<vmem>>)
          tpu.yield
        }) : () -> ()
        %dma_start3A_416 = arith.constant 0 : i32
        %dma_start3A_417 = arith.constant 0 : i32
        %dma_start3A_418 = arith.constant 0 : i32
        %dma_start3A_419 = tpu.memref_slice %arg9[%dma_start3A_417, %dma_start3A_418] : memref<512x32xf32, #tpu.memory_space<vmem>> -> memref<128x32xf32, #tpu.memory_space<vmem>>
        %dma_start3A_420 = arith.constant 0 : i32
        %dma_start3A_421 = tpu.memref_slice %arg7[%dma_start3A_416, %dma_start3A_420] : memref<4x128xi32, #tpu.memory_space<vmem>> -> memref<1x128xi32, #tpu.memory_space<vmem>>
        %dma_start3A_422 = tpu.memref_squeeze %dma_start3A_421 : memref<1x128xi32, #tpu.memory_space<vmem>> -> memref<128xi32, #tpu.memory_space<vmem>>
        %dma_start3A_423 = arith.constant 0 : i32
        %dma_start3A_424 = arith.constant 0 : i32
        %dma_start3A_425 = tpu.memref_slice %arg3[%dma_start3A_423, %dma_start3A_424] : memref<1000000x32xf32, #tpu.memory_space<hbm>> -> memref<1000000x32xf32, #tpu.memory_space<hbm>>
        tpu.enqueue_indirect_dma source(%dma_start3A_425 : memref<1000000x32xf32, #tpu.memory_space<hbm>>) target(%dma_start3A_419 : memref<128x32xf32, #tpu.memory_space<vmem>>) offsets(%dma_start3A_422 : memref<128xi32, #tpu.memory_space<vmem>>) semaphore(%arg13 : memref<!tpu.dma_semaphore, #tpu.memory_space<semaphore_mem>>)
        %dma_start3A_426 = arith.constant 1 : i32
        %dma_start3A_427 = arith.constant 128 : i32
        %dma_start3A_428 = arith.constant 0 : i32
        %dma_start3A_429 = tpu.memref_slice %arg9[%dma_start3A_427, %dma_start3A_428] : memref<512x32xf32, #tpu.memory_space<vmem>> -> memref<128x32xf32, #tpu.memory_space<vmem>>
        %dma_start3A_430 = arith.constant 0 : i32
        %dma_start3A_431 = tpu.memref_slice %arg7[%dma_start3A_426, %dma_start3A_430] : memref<4x128xi32, #tpu.memory_space<vmem>> -> memref<1x128xi32, #tpu.memory_space<vmem>>
        %dma_start3A_432 = tpu.memref_squeeze %dma_start3A_431 : memref<1x128xi32, #tpu.memory_space<vmem>> -> memref<128xi32, #tpu.memory_space<vmem>>
        %dma_start3A_433 = arith.constant 0 : i32
        %dma_start3A_434 = arith.constant 0 : i32
        %dma_start3A_435 = tpu.memref_slice %arg3[%dma_start3A_433, %dma_start3A_434] : memref<1000000x32xf32, #tpu.memory_space<hbm>> -> memref<1000000x32xf32, #tpu.memory_space<hbm>>
        tpu.enqueue_indirect_dma source(%dma_start3A_435 : memref<1000000x32xf32, #tpu.memory_space<hbm>>) target(%dma_start3A_429 : memref<128x32xf32, #tpu.memory_space<vmem>>) offsets(%dma_start3A_432 : memref<128xi32, #tpu.memory_space<vmem>>) semaphore(%arg13 : memref<!tpu.dma_semaphore, #tpu.memory_space<semaphore_mem>>)
        %dma_start3A_436 = arith.constant 2 : i32
        %dma_start3A_437 = arith.constant 256 : i32
        %dma_start3A_438 = arith.constant 0 : i32
        %dma_start3A_439 = tpu.memref_slice %arg9[%dma_start3A_437, %dma_start3A_438] : memref<512x32xf32, #tpu.memory_space<vmem>> -> memref<128x32xf32, #tpu.memory_space<vmem>>
        %dma_start3A_440 = arith.constant 0 : i32
        %dma_start3A_441 = tpu.memref_slice %arg7[%dma_start3A_436, %dma_start3A_440] : memref<4x128xi32, #tpu.memory_space<vmem>> -> memref<1x128xi32, #tpu.memory_space<vmem>>
        %dma_start3A_442 = tpu.memref_squeeze %dma_start3A_441 : memref<1x128xi32, #tpu.memory_space<vmem>> -> memref<128xi32, #tpu.memory_space<vmem>>
        %dma_start3A_443 = arith.constant 0 : i32
        %dma_start3A_444 = arith.constant 0 : i32
        %dma_start3A_445 = tpu.memref_slice %arg3[%dma_start3A_443, %dma_start3A_444] : memref<1000000x32xf32, #tpu.memory_space<hbm>> -> memref<1000000x32xf32, #tpu.memory_space<hbm>>
        tpu.enqueue_indirect_dma source(%dma_start3A_445 : memref<1000000x32xf32, #tpu.memory_space<hbm>>) target(%dma_start3A_439 : memref<128x32xf32, #tpu.memory_space<vmem>>) offsets(%dma_start3A_442 : memref<128xi32, #tpu.memory_space<vmem>>) semaphore(%arg13 : memref<!tpu.dma_semaphore, #tpu.memory_space<semaphore_mem>>)
        %dma_start3A_446 = arith.constant 3 : i32
        %dma_start3A_447 = arith.constant 384 : i32
        %dma_start3A_448 = arith.constant 0 : i32
        %dma_start3A_449 = tpu.memref_slice %arg9[%dma_start3A_447, %dma_start3A_448] : memref<512x32xf32, #tpu.memory_space<vmem>> -> memref<128x32xf32, #tpu.memory_space<vmem>>
        %dma_start3A_450 = arith.constant 0 : i32
        %dma_start3A_451 = tpu.memref_slice %arg7[%dma_start3A_446, %dma_start3A_450] : memref<4x128xi32, #tpu.memory_space<vmem>> -> memref<1x128xi32, #tpu.memory_space<vmem>>
        %dma_start3A_452 = tpu.memref_squeeze %dma_start3A_451 : memref<1x128xi32, #tpu.memory_space<vmem>> -> memref<128xi32, #tpu.memory_space<vmem>>
        %dma_start3A_453 = arith.constant 0 : i32
        %dma_start3A_454 = arith.constant 0 : i32
        %dma_start3A_455 = tpu.memref_slice %arg3[%dma_start3A_453, %dma_start3A_454] : memref<1000000x32xf32, #tpu.memory_space<hbm>> -> memref<1000000x32xf32, #tpu.memory_space<hbm>>
        tpu.enqueue_indirect_dma source(%dma_start3A_455 : memref<1000000x32xf32, #tpu.memory_space<hbm>>) target(%dma_start3A_449 : memref<128x32xf32, #tpu.memory_space<vmem>>) offsets(%dma_start3A_452 : memref<128xi32, #tpu.memory_space<vmem>>) semaphore(%arg13 : memref<!tpu.dma_semaphore, #tpu.memory_space<semaphore_mem>>)
      } else {
      }
      %mul3A_269 = arith.constant 2 : i32
      %mul3A_270 = arith.muli %scan3A_131, %mul3A_269 : i32
      %add3A_271 = arith.constant 1 : i32
      %add3A_272 = arith.addi %mul3A_270, %add3A_271 : i32
      %dma_wait3A_273 = arith.constant 0 : i32
      %dma_wait3A_274 = arith.constant 0 : i32
      %dma_wait3A_275 = arith.constant 0 : i32
      %dma_wait3A_276 = tpu.memref_slice %arg10[%dma_wait3A_274, %dma_wait3A_275] : memref<512x32xf32, #tpu.memory_space<vmem>> -> memref<128x32xf32, #tpu.memory_space<vmem>>
      %dma_wait3A_277 = arith.constant 0 : i32
      %dma_wait3A_278 = tpu.memref_slice %arg8[%dma_wait3A_273, %dma_wait3A_277] : memref<4x128xi32, #tpu.memory_space<vmem>> -> memref<1x128xi32, #tpu.memory_space<vmem>>
      %dma_wait3A_279 = tpu.memref_squeeze %dma_wait3A_278 : memref<1x128xi32, #tpu.memory_space<vmem>> -> memref<128xi32, #tpu.memory_space<vmem>>
      %dma_wait3A_280 = arith.constant 0 : i32
      %dma_wait3A_281 = arith.constant 0 : i32
      %dma_wait3A_282 = tpu.memref_slice %arg3[%dma_wait3A_280, %dma_wait3A_281] : memref<1000000x32xf32, #tpu.memory_space<hbm>> -> memref<1000000x32xf32, #tpu.memory_space<hbm>>
      tpu.wait_indirect_dma semaphore(%arg14 : memref<!tpu.dma_semaphore, #tpu.memory_space<semaphore_mem>>) src(%dma_wait3A_282 : memref<1000000x32xf32, #tpu.memory_space<hbm>>) dst(%dma_wait3A_276 : memref<128x32xf32, #tpu.memory_space<vmem>>)
      %dma_wait3A_283 = arith.constant 1 : i32
      %dma_wait3A_284 = arith.constant 128 : i32
      %dma_wait3A_285 = arith.constant 0 : i32
      %dma_wait3A_286 = tpu.memref_slice %arg10[%dma_wait3A_284, %dma_wait3A_285] : memref<512x32xf32, #tpu.memory_space<vmem>> -> memref<128x32xf32, #tpu.memory_space<vmem>>
      %dma_wait3A_287 = arith.constant 0 : i32
      %dma_wait3A_288 = tpu.memref_slice %arg8[%dma_wait3A_283, %dma_wait3A_287] : memref<4x128xi32, #tpu.memory_space<vmem>> -> memref<1x128xi32, #tpu.memory_space<vmem>>
      %dma_wait3A_289 = tpu.memref_squeeze %dma_wait3A_288 : memref<1x128xi32, #tpu.memory_space<vmem>> -> memref<128xi32, #tpu.memory_space<vmem>>
      %dma_wait3A_290 = arith.constant 0 : i32
      %dma_wait3A_291 = arith.constant 0 : i32
      %dma_wait3A_292 = tpu.memref_slice %arg3[%dma_wait3A_290, %dma_wait3A_291] : memref<1000000x32xf32, #tpu.memory_space<hbm>> -> memref<1000000x32xf32, #tpu.memory_space<hbm>>
      tpu.wait_indirect_dma semaphore(%arg14 : memref<!tpu.dma_semaphore, #tpu.memory_space<semaphore_mem>>) src(%dma_wait3A_292 : memref<1000000x32xf32, #tpu.memory_space<hbm>>) dst(%dma_wait3A_286 : memref<128x32xf32, #tpu.memory_space<vmem>>)
      %dma_wait3A_293 = arith.constant 2 : i32
      %dma_wait3A_294 = arith.constant 256 : i32
      %dma_wait3A_295 = arith.constant 0 : i32
      %dma_wait3A_296 = tpu.memref_slice %arg10[%dma_wait3A_294, %dma_wait3A_295] : memref<512x32xf32, #tpu.memory_space<vmem>> -> memref<128x32xf32, #tpu.memory_space<vmem>>
      %dma_wait3A_297 = arith.constant 0 : i32
      %dma_wait3A_298 = tpu.memref_slice %arg8[%dma_wait3A_293, %dma_wait3A_297] : memref<4x128xi32, #tpu.memory_space<vmem>> -> memref<1x128xi32, #tpu.memory_space<vmem>>
      %dma_wait3A_299 = tpu.memref_squeeze %dma_wait3A_298 : memref<1x128xi32, #tpu.memory_space<vmem>> -> memref<128xi32, #tpu.memory_space<vmem>>
      %dma_wait3A_300 = arith.constant 0 : i32
      %dma_wait3A_301 = arith.constant 0 : i32
      %dma_wait3A_302 = tpu.memref_slice %arg3[%dma_wait3A_300, %dma_wait3A_301] : memref<1000000x32xf32, #tpu.memory_space<hbm>> -> memref<1000000x32xf32, #tpu.memory_space<hbm>>
      tpu.wait_indirect_dma semaphore(%arg14 : memref<!tpu.dma_semaphore, #tpu.memory_space<semaphore_mem>>) src(%dma_wait3A_302 : memref<1000000x32xf32, #tpu.memory_space<hbm>>) dst(%dma_wait3A_296 : memref<128x32xf32, #tpu.memory_space<vmem>>)
      %dma_wait3A_303 = arith.constant 3 : i32
      %dma_wait3A_304 = arith.constant 384 : i32
      %dma_wait3A_305 = arith.constant 0 : i32
      %dma_wait3A_306 = tpu.memref_slice %arg10[%dma_wait3A_304, %dma_wait3A_305] : memref<512x32xf32, #tpu.memory_space<vmem>> -> memref<128x32xf32, #tpu.memory_space<vmem>>
      %dma_wait3A_307 = arith.constant 0 : i32
      %dma_wait3A_308 = tpu.memref_slice %arg8[%dma_wait3A_303, %dma_wait3A_307] : memref<4x128xi32, #tpu.memory_space<vmem>> -> memref<1x128xi32, #tpu.memory_space<vmem>>
      %dma_wait3A_309 = tpu.memref_squeeze %dma_wait3A_308 : memref<1x128xi32, #tpu.memory_space<vmem>> -> memref<128xi32, #tpu.memory_space<vmem>>
      %dma_wait3A_310 = arith.constant 0 : i32
      %dma_wait3A_311 = arith.constant 0 : i32
      %dma_wait3A_312 = tpu.memref_slice %arg3[%dma_wait3A_310, %dma_wait3A_311] : memref<1000000x32xf32, #tpu.memory_space<hbm>> -> memref<1000000x32xf32, #tpu.memory_space<hbm>>
      tpu.wait_indirect_dma semaphore(%arg14 : memref<!tpu.dma_semaphore, #tpu.memory_space<semaphore_mem>>) src(%dma_wait3A_312 : memref<1000000x32xf32, #tpu.memory_space<hbm>>) dst(%dma_wait3A_306 : memref<128x32xf32, #tpu.memory_space<vmem>>)
      %ge3A_313 = arith.constant 2 : i32
      %ge3A_314 = arith.cmpi sge, %add3A_272, %ge3A_313 : i32
      %convert_element_type3A_315 = arith.extui %ge3A_314 : i1 to i32
      %cond3A_316 = arith.constant 0 : i32
      %cond3A_317 = arith.cmpi ne, %convert_element_type3A_315, %cond3A_316 : i32
      scf.if %cond3A_317 {
        %sub3A = arith.constant 2 : i32
        %sub3A_412 = arith.subi %add3A_272, %sub3A : i32
        %mul3A_413 = arith.constant 128 : i32
        %mul3A_414 = arith.muli %sub3A_412, %mul3A_413 : i32
        %dma_wait3A_415 = arith.constant 0 : i32
        %dma_wait3A_416 = arith.constant 0 : i32
        %dma_wait3A_417 = tpu.memref_slice %arg12[%dma_wait3A_415, %dma_wait3A_416] : memref<128x129xf32, #tpu.memory_space<vmem>> -> memref<128x128xf32, #tpu.memory_space<vmem>>
        %dma_wait3A_418 = tpu.memref_slice %arg5[%mul3A_414, %mul3A_2] : memref<6400x4096xf32, #tpu.memory_space<hbm>> -> memref<128x128xf32, #tpu.memory_space<hbm>>
        %dma_wait3A_419 = tpu.memref_slice %arg5[%mul3A_414, %mul3A_2] : memref<6400x4096xf32, #tpu.memory_space<hbm>> -> memref<128x128xf32, #tpu.memory_space<hbm>>
        %dma_wait3A_420 = arith.constant 0 : i32
        %dma_wait3A_421 = arith.constant 0 : i32
        %dma_wait3A_422 = tpu.memref_slice %arg12[%dma_wait3A_420, %dma_wait3A_421] : memref<128x129xf32, #tpu.memory_space<vmem>> -> memref<128x128xf32, #tpu.memory_space<vmem>>
        tpu.wait_dma2 semaphore(%arg16 : memref<!tpu.dma_semaphore, #tpu.memory_space<semaphore_mem>>) src(%dma_wait3A_422 : memref<128x128xf32, #tpu.memory_space<vmem>>) dst(%dma_wait3A_419 : memref<128x128xf32, #tpu.memory_space<hbm>>)
      } else {
      }
      %mul3A_318 = arith.constant 4 : i32
      %mul3A_319 = arith.muli %add3A_272, %mul3A_318 : i32
      %add3A_320 = arith.constant 0 : i32
      %add3A_321 = arith.addi %mul3A_319, %add3A_320 : i32
      %get3A_322 = arith.index_cast %add3A_321 : i32 to index
      %get3A_323 = arith.constant 0 : index
      %get3A_324 = tpu.vector_load %arg6[%get3A_322, %get3A_323] {strides = array<i32>} : memref<200x32xf32, #tpu.memory_space<vmem>>, vector<16xf32>,
      %get3A_325 = arith.index_cast %add3A_321 : i32 to index
      %get3A_326 = arith.constant 16 : index
      %get3A_327 = tpu.vector_load %arg6[%get3A_325, %get3A_326] {strides = array<i32>} : memref<200x32xf32, #tpu.memory_space<vmem>>, vector<16xf32>,
      %add3A_328 = arith.constant 0 : i32
      %add3A_329 = vector.broadcast %add3A_328 : i32 to vector<16xi32>
      %add3A_330 = arith.addi %iota3A, %add3A_329 : vector<16xi32>
      %add3A_331 = arith.constant 16 : i32
      %add3A_332 = vector.broadcast %add3A_331 : i32 to vector<16xi32>
      %add3A_333 = arith.addi %add3A_330, %add3A_332 : vector<16xi32>
      %parallel_loop3A_334 = arith.constant 0 : i32
      %parallel_loop3A_335 = arith.constant 128 : i32
      %parallel_loop3A_336 = arith.constant 1 : i32
      scf.for %parallel_loop3A_412 = %parallel_loop3A_334 to %parallel_loop3A_335 step %parallel_loop3A_336  : i32 {
        %parallel_loop3A_413 = arith.constant 0 : i32
        %parallel_loop3A_414 = arith.addi %parallel_loop3A_413, %parallel_loop3A_412 : i32
        %parallel_loop3A_415 = vector.broadcast %parallel_loop3A_412 : i32 to vector<16xi32>
        %parallel_loop3A_416 = arith.index_cast %parallel_loop3A_414 : i32 to index
        %parallel_loop3A_417 = arith.constant 0 : index
        %parallel_loop3A_418 = tpu.vector_load %arg10[%parallel_loop3A_416, %parallel_loop3A_417] {strides = array<i32>} : memref<512x32xf32, #tpu.memory_space<vmem>>, vector<16xf32>,
        %parallel_loop3A_419 = arith.addf %parallel_loop3A_418, %get3A_324 : vector<16xf32>
        %parallel_loop3A_420 = arith.index_cast %parallel_loop3A_414 : i32 to index
        %parallel_loop3A_421 = arith.constant 16 : index
        %parallel_loop3A_422 = tpu.vector_load %arg10[%parallel_loop3A_420, %parallel_loop3A_421] {strides = array<i32>} : memref<512x32xf32, #tpu.memory_space<vmem>>, vector<16xf32>,
        %parallel_loop3A_423 = arith.addf %parallel_loop3A_422, %get3A_327 : vector<16xf32>
        tpu.vector_store_idx %arg12[%add3A_330, %parallel_loop3A_415], %parallel_loop3A_419 : memref<128x129xf32, #tpu.memory_space<vmem>>[vector<16xi32>, vector<16xi32>], vector<16xf32>,
        tpu.vector_store_idx %arg12[%add3A_333, %parallel_loop3A_415], %parallel_loop3A_423 : memref<128x129xf32, #tpu.memory_space<vmem>>[vector<16xi32>, vector<16xi32>], vector<16xf32>,
      } {sc.loop_unroll_factor = 4 : i64, sc.parallel_access}
      %mul3A_337 = arith.constant 4 : i32
      %mul3A_338 = arith.muli %add3A_272, %mul3A_337 : i32
      %add3A_339 = arith.constant 1 : i32
      %add3A_340 = arith.addi %mul3A_338, %add3A_339 : i32
      %get3A_341 = arith.index_cast %add3A_340 : i32 to index
      %get3A_342 = arith.constant 0 : index
      %get3A_343 = tpu.vector_load %arg6[%get3A_341, %get3A_342] {strides = array<i32>} : memref<200x32xf32, #tpu.memory_space<vmem>>, vector<16xf32>,
      %get3A_344 = arith.index_cast %add3A_340 : i32 to index
      %get3A_345 = arith.constant 16 : index
      %get3A_346 = tpu.vector_load %arg6[%get3A_344, %get3A_345] {strides = array<i32>} : memref<200x32xf32, #tpu.memory_space<vmem>>, vector<16xf32>,
      %add3A_347 = arith.constant 32 : i32
      %add3A_348 = vector.broadcast %add3A_347 : i32 to vector<16xi32>
      %add3A_349 = arith.addi %iota3A, %add3A_348 : vector<16xi32>
      %add3A_350 = arith.constant 16 : i32
      %add3A_351 = vector.broadcast %add3A_350 : i32 to vector<16xi32>
      %add3A_352 = arith.addi %add3A_349, %add3A_351 : vector<16xi32>
      %parallel_loop3A_353 = arith.constant 0 : i32
      %parallel_loop3A_354 = arith.constant 128 : i32
      %parallel_loop3A_355 = arith.constant 1 : i32
      scf.for %parallel_loop3A_412 = %parallel_loop3A_353 to %parallel_loop3A_354 step %parallel_loop3A_355  : i32 {
        %parallel_loop3A_413 = arith.constant 128 : i32
        %parallel_loop3A_414 = arith.addi %parallel_loop3A_413, %parallel_loop3A_412 : i32
        %parallel_loop3A_415 = vector.broadcast %parallel_loop3A_412 : i32 to vector<16xi32>
        %parallel_loop3A_416 = arith.index_cast %parallel_loop3A_414 : i32 to index
        %parallel_loop3A_417 = arith.constant 0 : index
        %parallel_loop3A_418 = tpu.vector_load %arg10[%parallel_loop3A_416, %parallel_loop3A_417] {strides = array<i32>} : memref<512x32xf32, #tpu.memory_space<vmem>>, vector<16xf32>,
        %parallel_loop3A_419 = arith.addf %parallel_loop3A_418, %get3A_343 : vector<16xf32>
        %parallel_loop3A_420 = arith.index_cast %parallel_loop3A_414 : i32 to index
        %parallel_loop3A_421 = arith.constant 16 : index
        %parallel_loop3A_422 = tpu.vector_load %arg10[%parallel_loop3A_420, %parallel_loop3A_421] {strides = array<i32>} : memref<512x32xf32, #tpu.memory_space<vmem>>, vector<16xf32>,
        %parallel_loop3A_423 = arith.addf %parallel_loop3A_422, %get3A_346 : vector<16xf32>
        tpu.vector_store_idx %arg12[%add3A_349, %parallel_loop3A_415], %parallel_loop3A_419 : memref<128x129xf32, #tpu.memory_space<vmem>>[vector<16xi32>, vector<16xi32>], vector<16xf32>,
        tpu.vector_store_idx %arg12[%add3A_352, %parallel_loop3A_415], %parallel_loop3A_423 : memref<128x129xf32, #tpu.memory_space<vmem>>[vector<16xi32>, vector<16xi32>], vector<16xf32>,
      } {sc.loop_unroll_factor = 4 : i64, sc.parallel_access}
      %mul3A_356 = arith.constant 4 : i32
      %mul3A_357 = arith.muli %add3A_272, %mul3A_356 : i32
      %add3A_358 = arith.constant 2 : i32
      %add3A_359 = arith.addi %mul3A_357, %add3A_358 : i32
      %get3A_360 = arith.index_cast %add3A_359 : i32 to index
      %get3A_361 = arith.constant 0 : index
      %get3A_362 = tpu.vector_load %arg6[%get3A_360, %get3A_361] {strides = array<i32>} : memref<200x32xf32, #tpu.memory_space<vmem>>, vector<16xf32>,
      %get3A_363 = arith.index_cast %add3A_359 : i32 to index
      %get3A_364 = arith.constant 16 : index
      %get3A_365 = tpu.vector_load %arg6[%get3A_363, %get3A_364] {strides = array<i32>} : memref<200x32xf32, #tpu.memory_space<vmem>>, vector<16xf32>,
      %add3A_366 = arith.constant 64 : i32
      %add3A_367 = vector.broadcast %add3A_366 : i32 to vector<16xi32>
      %add3A_368 = arith.addi %iota3A, %add3A_367 : vector<16xi32>
      %add3A_369 = arith.constant 16 : i32
      %add3A_370 = vector.broadcast %add3A_369 : i32 to vector<16xi32>
      %add3A_371 = arith.addi %add3A_368, %add3A_370 : vector<16xi32>
      %parallel_loop3A_372 = arith.constant 0 : i32
      %parallel_loop3A_373 = arith.constant 128 : i32
      %parallel_loop3A_374 = arith.constant 1 : i32
      scf.for %parallel_loop3A_412 = %parallel_loop3A_372 to %parallel_loop3A_373 step %parallel_loop3A_374  : i32 {
        %parallel_loop3A_413 = arith.constant 256 : i32
        %parallel_loop3A_414 = arith.addi %parallel_loop3A_413, %parallel_loop3A_412 : i32
        %parallel_loop3A_415 = vector.broadcast %parallel_loop3A_412 : i32 to vector<16xi32>
        %parallel_loop3A_416 = arith.index_cast %parallel_loop3A_414 : i32 to index
        %parallel_loop3A_417 = arith.constant 0 : index
        %parallel_loop3A_418 = tpu.vector_load %arg10[%parallel_loop3A_416, %parallel_loop3A_417] {strides = array<i32>} : memref<512x32xf32, #tpu.memory_space<vmem>>, vector<16xf32>,
        %parallel_loop3A_419 = arith.addf %parallel_loop3A_418, %get3A_362 : vector<16xf32>
        %parallel_loop3A_420 = arith.index_cast %parallel_loop3A_414 : i32 to index
        %parallel_loop3A_421 = arith.constant 16 : index
        %parallel_loop3A_422 = tpu.vector_load %arg10[%parallel_loop3A_420, %parallel_loop3A_421] {strides = array<i32>} : memref<512x32xf32, #tpu.memory_space<vmem>>, vector<16xf32>,
        %parallel_loop3A_423 = arith.addf %parallel_loop3A_422, %get3A_365 : vector<16xf32>
        tpu.vector_store_idx %arg12[%add3A_368, %parallel_loop3A_415], %parallel_loop3A_419 : memref<128x129xf32, #tpu.memory_space<vmem>>[vector<16xi32>, vector<16xi32>], vector<16xf32>,
        tpu.vector_store_idx %arg12[%add3A_371, %parallel_loop3A_415], %parallel_loop3A_423 : memref<128x129xf32, #tpu.memory_space<vmem>>[vector<16xi32>, vector<16xi32>], vector<16xf32>,
      } {sc.loop_unroll_factor = 4 : i64, sc.parallel_access}
      %mul3A_375 = arith.constant 4 : i32
      %mul3A_376 = arith.muli %add3A_272, %mul3A_375 : i32
      %add3A_377 = arith.constant 3 : i32
      %add3A_378 = arith.addi %mul3A_376, %add3A_377 : i32
      %get3A_379 = arith.index_cast %add3A_378 : i32 to index
      %get3A_380 = arith.constant 0 : index
      %get3A_381 = tpu.vector_load %arg6[%get3A_379, %get3A_380] {strides = array<i32>} : memref<200x32xf32, #tpu.memory_space<vmem>>, vector<16xf32>,
      %get3A_382 = arith.index_cast %add3A_378 : i32 to index
      %get3A_383 = arith.constant 16 : index
      %get3A_384 = tpu.vector_load %arg6[%get3A_382, %get3A_383] {strides = array<i32>} : memref<200x32xf32, #tpu.memory_space<vmem>>, vector<16xf32>,
      %add3A_385 = arith.constant 96 : i32
      %add3A_386 = vector.broadcast %add3A_385 : i32 to vector<16xi32>
      %add3A_387 = arith.addi %iota3A, %add3A_386 : vector<16xi32>
      %add3A_388 = arith.constant 16 : i32
      %add3A_389 = vector.broadcast %add3A_388 : i32 to vector<16xi32>
      %add3A_390 = arith.addi %add3A_387, %add3A_389 : vector<16xi32>
      %parallel_loop3A_391 = arith.constant 0 : i32
      %parallel_loop3A_392 = arith.constant 128 : i32
      %parallel_loop3A_393 = arith.constant 1 : i32
      scf.for %parallel_loop3A_412 = %parallel_loop3A_391 to %parallel_loop3A_392 step %parallel_loop3A_393  : i32 {
        %parallel_loop3A_413 = arith.constant 384 : i32
        %parallel_loop3A_414 = arith.addi %parallel_loop3A_413, %parallel_loop3A_412 : i32
        %parallel_loop3A_415 = vector.broadcast %parallel_loop3A_412 : i32 to vector<16xi32>
        %parallel_loop3A_416 = arith.index_cast %parallel_loop3A_414 : i32 to index
        %parallel_loop3A_417 = arith.constant 0 : index
        %parallel_loop3A_418 = tpu.vector_load %arg10[%parallel_loop3A_416, %parallel_loop3A_417] {strides = array<i32>} : memref<512x32xf32, #tpu.memory_space<vmem>>, vector<16xf32>,
        %parallel_loop3A_419 = arith.addf %parallel_loop3A_418, %get3A_381 : vector<16xf32>
        %parallel_loop3A_420 = arith.index_cast %parallel_loop3A_414 : i32 to index
        %parallel_loop3A_421 = arith.constant 16 : index
        %parallel_loop3A_422 = tpu.vector_load %arg10[%parallel_loop3A_420, %parallel_loop3A_421] {strides = array<i32>} : memref<512x32xf32, #tpu.memory_space<vmem>>, vector<16xf32>,
        %parallel_loop3A_423 = arith.addf %parallel_loop3A_422, %get3A_384 : vector<16xf32>
        tpu.vector_store_idx %arg12[%add3A_387, %parallel_loop3A_415], %parallel_loop3A_419 : memref<128x129xf32, #tpu.memory_space<vmem>>[vector<16xi32>, vector<16xi32>], vector<16xf32>,
        tpu.vector_store_idx %arg12[%add3A_390, %parallel_loop3A_415], %parallel_loop3A_423 : memref<128x129xf32, #tpu.memory_space<vmem>>[vector<16xi32>, vector<16xi32>], vector<16xf32>,
      } {sc.loop_unroll_factor = 4 : i64, sc.parallel_access}
      %mul3A_394 = arith.constant 128 : i32
      %mul3A_395 = arith.muli %add3A_272, %mul3A_394 : i32
      %dma_start3A_396 = arith.constant 0 : i32
      %dma_start3A_397 = arith.constant 0 : i32
      %dma_start3A_398 = tpu.memref_slice %arg12[%dma_start3A_396, %dma_start3A_397] : memref<128x129xf32, #tpu.memory_space<vmem>> -> memref<128x128xf32, #tpu.memory_space<vmem>>
      %dma_start3A_399 = tpu.memref_slice %arg5[%mul3A_395, %mul3A_2] : memref<6400x4096xf32, #tpu.memory_space<hbm>> -> memref<128x128xf32, #tpu.memory_space<hbm>>
      %dma_start3A_400 = tpu.memref_slice %arg5[%mul3A_395, %mul3A_2] : memref<6400x4096xf32, #tpu.memory_space<hbm>> -> memref<128x128xf32, #tpu.memory_space<hbm>>
      %dma_start3A_401 = arith.constant 0 : i32
      %dma_start3A_402 = arith.constant 0 : i32
      %dma_start3A_403 = tpu.memref_slice %arg12[%dma_start3A_401, %dma_start3A_402] : memref<128x129xf32, #tpu.memory_space<vmem>> -> memref<128x128xf32, #tpu.memory_space<vmem>>
      tpu.enqueue_dma source(%dma_start3A_403 : memref<128x128xf32, #tpu.memory_space<vmem>>) target(%dma_start3A_400 : memref<128x128xf32, #tpu.memory_space<hbm>>) target_semaphore(%arg16 : memref<!tpu.dma_semaphore, #tpu.memory_space<semaphore_mem>>)
      %add3A_404 = arith.constant 2 : i32
      %add3A_405 = arith.addi %add3A_272, %add3A_404 : i32
      %lt3A_406 = arith.constant 50 : i32
      %lt3A_407 = arith.cmpi slt, %add3A_405, %lt3A_406 : i32
      %convert_element_type3A_408 = arith.extui %lt3A_407 : i1 to i32
      %cond3A_409 = arith.constant 0 : i32
      %cond3A_410 = arith.cmpi ne, %convert_element_type3A_408, %cond3A_409 : i32
      scf.if %cond3A_410 {
        %add3A_412 = arith.constant 2 : i32
        %add3A_413 = arith.addi %add3A_272, %add3A_412 : i32
        %mul3A_414 = arith.constant 4 : i32
        %mul3A_415 = arith.muli %add3A_413, %mul3A_414 : i32
        "tpu.region"() ({
          %run_scoped3A = tpu.sem_alloc : memref<!tpu.dma_semaphore, #tpu.memory_space<semaphore_mem>>
          %dma_start3A_456 = tpu.memref_slice %arg2[%mul3A_415, %mul3A_2] : memref<200x4096xi32, #tpu.memory_space<hbm>> -> memref<4x128xi32, #tpu.memory_space<hbm>>
          %dma_start3A_457 = tpu.memref_slice %arg2[%mul3A_415, %mul3A_2] : memref<200x4096xi32, #tpu.memory_space<hbm>> -> memref<4x128xi32, #tpu.memory_space<hbm>>
          tpu.enqueue_dma source(%dma_start3A_457 : memref<4x128xi32, #tpu.memory_space<hbm>>) target(%arg8 : memref<4x128xi32, #tpu.memory_space<vmem>>) target_semaphore(%run_scoped3A : memref<!tpu.dma_semaphore, #tpu.memory_space<semaphore_mem>>)
          %dma_wait3A_458 = tpu.memref_slice %arg2[%mul3A_415, %mul3A_2] : memref<200x4096xi32, #tpu.memory_space<hbm>> -> memref<4x128xi32, #tpu.memory_space<hbm>>
          %dma_wait3A_459 = tpu.memref_slice %arg2[%mul3A_415, %mul3A_2] : memref<200x4096xi32, #tpu.memory_space<hbm>> -> memref<4x128xi32, #tpu.memory_space<hbm>>
          tpu.wait_dma2 semaphore(%run_scoped3A : memref<!tpu.dma_semaphore, #tpu.memory_space<semaphore_mem>>) src(%dma_wait3A_459 : memref<4x128xi32, #tpu.memory_space<hbm>>) dst(%arg8 : memref<4x128xi32, #tpu.memory_space<vmem>>)
          tpu.yield
        }) : () -> ()
        %dma_start3A_416 = arith.constant 0 : i32
        %dma_start3A_417 = arith.constant 0 : i32
        %dma_start3A_418 = arith.constant 0 : i32
        %dma_start3A_419 = tpu.memref_slice %arg10[%dma_start3A_417, %dma_start3A_418] : memref<512x32xf32, #tpu.memory_space<vmem>> -> memref<128x32xf32, #tpu.memory_space<vmem>>
        %dma_start3A_420 = arith.constant 0 : i32
        %dma_start3A_421 = tpu.memref_slice %arg8[%dma_start3A_416, %dma_start3A_420] : memref<4x128xi32, #tpu.memory_space<vmem>> -> memref<1x128xi32, #tpu.memory_space<vmem>>
        %dma_start3A_422 = tpu.memref_squeeze %dma_start3A_421 : memref<1x128xi32, #tpu.memory_space<vmem>> -> memref<128xi32, #tpu.memory_space<vmem>>
        %dma_start3A_423 = arith.constant 0 : i32
        %dma_start3A_424 = arith.constant 0 : i32
        %dma_start3A_425 = tpu.memref_slice %arg3[%dma_start3A_423, %dma_start3A_424] : memref<1000000x32xf32, #tpu.memory_space<hbm>> -> memref<1000000x32xf32, #tpu.memory_space<hbm>>
        tpu.enqueue_indirect_dma source(%dma_start3A_425 : memref<1000000x32xf32, #tpu.memory_space<hbm>>) target(%dma_start3A_419 : memref<128x32xf32, #tpu.memory_space<vmem>>) offsets(%dma_start3A_422 : memref<128xi32, #tpu.memory_space<vmem>>) semaphore(%arg14 : memref<!tpu.dma_semaphore, #tpu.memory_space<semaphore_mem>>)
        %dma_start3A_426 = arith.constant 1 : i32
        %dma_start3A_427 = arith.constant 128 : i32
        %dma_start3A_428 = arith.constant 0 : i32
        %dma_start3A_429 = tpu.memref_slice %arg10[%dma_start3A_427, %dma_start3A_428] : memref<512x32xf32, #tpu.memory_space<vmem>> -> memref<128x32xf32, #tpu.memory_space<vmem>>
        %dma_start3A_430 = arith.constant 0 : i32
        %dma_start3A_431 = tpu.memref_slice %arg8[%dma_start3A_426, %dma_start3A_430] : memref<4x128xi32, #tpu.memory_space<vmem>> -> memref<1x128xi32, #tpu.memory_space<vmem>>
        %dma_start3A_432 = tpu.memref_squeeze %dma_start3A_431 : memref<1x128xi32, #tpu.memory_space<vmem>> -> memref<128xi32, #tpu.memory_space<vmem>>
        %dma_start3A_433 = arith.constant 0 : i32
        %dma_start3A_434 = arith.constant 0 : i32
        %dma_start3A_435 = tpu.memref_slice %arg3[%dma_start3A_433, %dma_start3A_434] : memref<1000000x32xf32, #tpu.memory_space<hbm>> -> memref<1000000x32xf32, #tpu.memory_space<hbm>>
        tpu.enqueue_indirect_dma source(%dma_start3A_435 : memref<1000000x32xf32, #tpu.memory_space<hbm>>) target(%dma_start3A_429 : memref<128x32xf32, #tpu.memory_space<vmem>>) offsets(%dma_start3A_432 : memref<128xi32, #tpu.memory_space<vmem>>) semaphore(%arg14 : memref<!tpu.dma_semaphore, #tpu.memory_space<semaphore_mem>>)
        %dma_start3A_436 = arith.constant 2 : i32
        %dma_start3A_437 = arith.constant 256 : i32
        %dma_start3A_438 = arith.constant 0 : i32
        %dma_start3A_439 = tpu.memref_slice %arg10[%dma_start3A_437, %dma_start3A_438] : memref<512x32xf32, #tpu.memory_space<vmem>> -> memref<128x32xf32, #tpu.memory_space<vmem>>
        %dma_start3A_440 = arith.constant 0 : i32
        %dma_start3A_441 = tpu.memref_slice %arg8[%dma_start3A_436, %dma_start3A_440] : memref<4x128xi32, #tpu.memory_space<vmem>> -> memref<1x128xi32, #tpu.memory_space<vmem>>
        %dma_start3A_442 = tpu.memref_squeeze %dma_start3A_441 : memref<1x128xi32, #tpu.memory_space<vmem>> -> memref<128xi32, #tpu.memory_space<vmem>>
        %dma_start3A_443 = arith.constant 0 : i32
        %dma_start3A_444 = arith.constant 0 : i32
        %dma_start3A_445 = tpu.memref_slice %arg3[%dma_start3A_443, %dma_start3A_444] : memref<1000000x32xf32, #tpu.memory_space<hbm>> -> memref<1000000x32xf32, #tpu.memory_space<hbm>>
        tpu.enqueue_indirect_dma source(%dma_start3A_445 : memref<1000000x32xf32, #tpu.memory_space<hbm>>) target(%dma_start3A_439 : memref<128x32xf32, #tpu.memory_space<vmem>>) offsets(%dma_start3A_442 : memref<128xi32, #tpu.memory_space<vmem>>) semaphore(%arg14 : memref<!tpu.dma_semaphore, #tpu.memory_space<semaphore_mem>>)
        %dma_start3A_446 = arith.constant 3 : i32
        %dma_start3A_447 = arith.constant 384 : i32
        %dma_start3A_448 = arith.constant 0 : i32
        %dma_start3A_449 = tpu.memref_slice %arg10[%dma_start3A_447, %dma_start3A_448] : memref<512x32xf32, #tpu.memory_space<vmem>> -> memref<128x32xf32, #tpu.memory_space<vmem>>
        %dma_start3A_450 = arith.constant 0 : i32
        %dma_start3A_451 = tpu.memref_slice %arg8[%dma_start3A_446, %dma_start3A_450] : memref<4x128xi32, #tpu.memory_space<vmem>> -> memref<1x128xi32, #tpu.memory_space<vmem>>
        %dma_start3A_452 = tpu.memref_squeeze %dma_start3A_451 : memref<1x128xi32, #tpu.memory_space<vmem>> -> memref<128xi32, #tpu.memory_space<vmem>>
        %dma_start3A_453 = arith.constant 0 : i32
        %dma_start3A_454 = arith.constant 0 : i32
        %dma_start3A_455 = tpu.memref_slice %arg3[%dma_start3A_453, %dma_start3A_454] : memref<1000000x32xf32, #tpu.memory_space<hbm>> -> memref<1000000x32xf32, #tpu.memory_space<hbm>>
        tpu.enqueue_indirect_dma source(%dma_start3A_455 : memref<1000000x32xf32, #tpu.memory_space<hbm>>) target(%dma_start3A_449 : memref<128x32xf32, #tpu.memory_space<vmem>>) offsets(%dma_start3A_452 : memref<128xi32, #tpu.memory_space<vmem>>) semaphore(%arg14 : memref<!tpu.dma_semaphore, #tpu.memory_space<semaphore_mem>>)
      } else {
      }
      %scan3A_411 = arith.constant 0 : i32
      scf.yield %scan3A_411 : i32
    }
    %scan3A_111 = arith.constant 25 : i32
    %dma_wait3A = arith.constant 0 : i32
    %dma_wait3A_112 = arith.constant 0 : i32
    %dma_wait3A_113 = tpu.memref_slice %arg11[%dma_wait3A, %dma_wait3A_112] : memref<128x129xf32, #tpu.memory_space<vmem>> -> memref<128x128xf32, #tpu.memory_space<vmem>>
    %dma_wait3A_114 = arith.constant 6144 : i32
    %dma_wait3A_115 = tpu.memref_slice %arg5[%dma_wait3A_114, %mul3A_2] : memref<6400x4096xf32, #tpu.memory_space<hbm>> -> memref<128x128xf32, #tpu.memory_space<hbm>>
    %dma_wait3A_116 = arith.constant 6144 : i32
    %dma_wait3A_117 = tpu.memref_slice %arg5[%dma_wait3A_116, %mul3A_2] : memref<6400x4096xf32, #tpu.memory_space<hbm>> -> memref<128x128xf32, #tpu.memory_space<hbm>>
    %dma_wait3A_118 = arith.constant 0 : i32
    %dma_wait3A_119 = arith.constant 0 : i32
    %dma_wait3A_120 = tpu.memref_slice %arg11[%dma_wait3A_118, %dma_wait3A_119] : memref<128x129xf32, #tpu.memory_space<vmem>> -> memref<128x128xf32, #tpu.memory_space<vmem>>
    tpu.wait_dma2 semaphore(%arg15 : memref<!tpu.dma_semaphore, #tpu.memory_space<semaphore_mem>>) src(%dma_wait3A_120 : memref<128x128xf32, #tpu.memory_space<vmem>>) dst(%dma_wait3A_117 : memref<128x128xf32, #tpu.memory_space<hbm>>)
    %dma_wait3A_121 = arith.constant 0 : i32
    %dma_wait3A_122 = arith.constant 0 : i32
    %dma_wait3A_123 = tpu.memref_slice %arg12[%dma_wait3A_121, %dma_wait3A_122] : memref<128x129xf32, #tpu.memory_space<vmem>> -> memref<128x128xf32, #tpu.memory_space<vmem>>
    %dma_wait3A_124 = arith.constant 6272 : i32
    %dma_wait3A_125 = tpu.memref_slice %arg5[%dma_wait3A_124, %mul3A_2] : memref<6400x4096xf32, #tpu.memory_space<hbm>> -> memref<128x128xf32, #tpu.memory_space<hbm>>
    %dma_wait3A_126 = arith.constant 6272 : i32
    %dma_wait3A_127 = tpu.memref_slice %arg5[%dma_wait3A_126, %mul3A_2] : memref<6400x4096xf32, #tpu.memory_space<hbm>> -> memref<128x128xf32, #tpu.memory_space<hbm>>
    %dma_wait3A_128 = arith.constant 0 : i32
    %dma_wait3A_129 = arith.constant 0 : i32
    %dma_wait3A_130 = tpu.memref_slice %arg12[%dma_wait3A_128, %dma_wait3A_129] : memref<128x129xf32, #tpu.memory_space<vmem>> -> memref<128x128xf32, #tpu.memory_space<vmem>>
    tpu.wait_dma2 semaphore(%arg16 : memref<!tpu.dma_semaphore, #tpu.memory_space<semaphore_mem>>) src(%dma_wait3A_130 : memref<128x128xf32, #tpu.memory_space<vmem>>) dst(%dma_wait3A_127 : memref<128x128xf32, #tpu.memory_space<hbm>>)
    return
  }
}

</mosaic_0001>

<sc_bundles>
// kernel: kernel.3.cloned.1.call-start
scs
__scs_entry_jumppad:
0x0: {  	(pc) =	sbr.rel $0x88, $3  }
0x1: {  	(tag) =	ssettag $0x0;
	lr =	simm.s32 $0x1  }
0x2: {  	[smem:$0x3F9E] =	sst lr;
	_ =	strace $0xD0000000  }
0x3: {  	_ = 	snop  }
0x4: {  	_ = 	snop  }
0x5: {  	_ = 	snop  }
0x6: {  	_ = 	snop  }
0x7: {  	_ = 	snop  }
__scs_overlays_trampoline_lowered:
0x8: {  	[smem:$0x3FAD] =	sst s0  }
0x9: {  	[smem:$0x3FAE] =	sst s1  }
0xa: {  	[smem:$0x3FAF] =	sst s2  }
0xb: {  	[smem:$0x3FB0] =	sst s3  }
0xc: {  	[smem:$0x3FB1] =	sst s4  }
0xd: {  	[smem:$0x3FB2] =	sst s5  }
0xe: {  	[smem:$0x3FB3] =	sst s6  }
0xf: {  	[smem:$0x3FB4] =	sst s7  }
0x10: {  	[smem:$0x3FB5] =	sst s8  }
0x11: {  	[smem:$0x3FB6] =	sst s9;
	s0 =	simm.s32 @!p0 $0x0  }
0x12: {  	s1 =	sld [smem:$0x3F9C];
	s0 =	simm.s32 @p0 $0x1  }
0x13: {  	[smem:$0x3FB7] =	sst s0;
	s0 =	simm.s32 @!p1 $0x0  }
0x14: {  	s2 =	sld [smem:$0x3F9B];
	s0 =	simm.s32 @p1 $0x1  }
0x15: {  	[smem:$0x3FB8] =	sst s0;
	s0 =	simm.s32 @!p2 $0x0  }
0x16: {  	s3 =	sld [smem:$0x3FDB];
	s0 =	simm.s32 @p2 $0x1  }
0x17: {  	s4 =	simm.s32 $0x1BF5;
	[smem:$0x3FBA] =	sst s0  }
0x18: {  	s0 =	sld [smem:$0x3F9D];
	_ =	swait.ge [sflag:s4], $0x0  }
0x19: {  	s7 =	sld [smem:$0x3F9E]  }
0x1a: {  	s8 =	sadd.s32 $0xFFFFE003, lr  }
0x1b: {  	s9 =	sadd.s32 $0xFFFFFEF7, lr;
	s5 =	simm.s32 $0xFFFFFFFF;
	p2 =	slt.u32 s8, $0xFFFFF086  }
0x1c: {  	p1 =	slt.u32 s9, $0xF7A;
	s5 =	simm.s32 @!p2 $0x0  }
0x1d: {  	s5 =	simm.s32 @p1 $0x1;
	p0 =	seq.s32 s7, s2  }
0x1e: {  	s7 =	smul.u32 @!p0 $0xF7A, s2;
	p2 =	seq.s32 @!p0 s5, $0x0  }
0x1f: {  	s9 =	smul.u32 $0xF7A, s1;
	s8 =	simm.s32 @!p0 $0x1BF5;
	p2 =	por !p2, p0  }
0x20: {  	[sflag:s8] =	ssyncset.s32 @!p0 $0xFFFFF086;
	s6 =	sadd.s32 @!p0 s3, s7;
	s7 =	simm.s32 @!p0 $0x108  }
0x21: {  	s3 =	sadd.s32 s3, s9;
	s6 =	sadd.s32 @!p0 $0x88, s6;
	s7 =	simm.s32 @p2 $0x1082  }
0x22: {  	[simem:s7], [sflag:s8] =	dma.local @!p0 [hbm:s6], $0xF7A  }
0x23: {  	s9 =	sor.u32 $0xD0000000, s2;
	s6 =	simm.s32 $0x108;
	_ =	swait.ge @!p0 [sflag:s8], $0x0  }
0x24: {  	s3 =	sadd.s32 $0x88, s3;
	s6 =	simm.s32 @!p1 $0x1082;
	[sflag:s4] =	ssyncset.s32 $0xFFFFF086  }
0x25: {  	[simem:s6], [sflag:s4] =	dma.local [hbm:s3], $0xF7A  }
0x26: {  	[smem:$0x3F9E] =	sst s1;
	(tag) =	ssettag s2;
	_ =	strace s9  }
0x27: {  	s1 =	sld [smem:$0x3FAE]  }
0x28: {  	s2 =	sld [smem:$0x3FAF]  }
0x29: {  	s4 =	sld [smem:$0x3FB1]  }
0x2a: {  	p0 =	seq.s32 s5, $0x0;
	s5 =	sld [smem:$0x3FB2]  }
0x2b: {  	s6 =	sld [smem:$0x3FB3]  }
0x2c: {  	s7 =	sld [smem:$0x3FB4]  }
0x2d: {  	s3 =	simm.s32 $0x108;
	s8 =	sld [smem:$0x3FB5]  }
0x2e: {  	s3 =	simm.s32 @!p0 $0x1082;
	s9 =	sld [smem:$0x3FB6]  }
0x2f: {  	lr =	sadd.s32 s0, s3;
	s0 =	sld [smem:$0x3FAD]  }
0x30: {  	s3 =	sld [smem:$0x3FB0]  }
0x31: {  	[smem:$0x3FB9] =	sst s10  }
0x32: {  	s10 =	sld [smem:$0x3FB7];
	_ =	sdelay $0x3  }
0x33: {  	p0 =	seq.s32 s10, $0x1;
	s10 =	sld [smem:$0x3FB9];
	_ =	sdelay $0x3  }
0x34: {  	[smem:$0x3FB9] =	sst s10  }
0x35: {  	s10 =	sld [smem:$0x3FB8];
	_ =	sdelay $0x3  }
0x36: {  	p1 =	seq.s32 s10, $0x1;
	s10 =	sld [smem:$0x3FB9];
	_ =	sdelay $0x3  }
0x37: {  	[smem:$0x3FB9] =	sst s10  }
0x38: {  	s10 =	sld [smem:$0x3FBA]  }
0x39: {  	_ = 	snop;
	(pc) =	sbr.ind lr, $3  }
0x3a: {  	_ = 	snop  }
0x3b: {  	_ = 	snop  }
0x3c: {  	p2 =	seq.s32 s10, $0x1;
	s10 =	sld [smem:$0x3FB9]  }
0x3d: {  	_ =	shalt  }
0x3e: {  	_ =	shalt  }
0x3f: {  	_ =	shalt  }
0x40: {  	_ =	shalt  }
0x41: {  	_ =	shalt  }
0x42: {  	_ =	shalt  }
0x43: {  	_ =	shalt  }
0x44: {  	_ =	shalt  }
0x45: {  	_ =	shalt  }
0x46: {  	_ =	shalt  }
0x47: {  	_ =	shalt  }
0x48: {  	_ =	shalt  }
0x49: {  	_ =	shalt  }
0x4a: {  	_ =	shalt  }
0x4b: {  	_ =	shalt  }
0x4c: {  	_ =	shalt  }
0x4d: {  	_ =	shalt  }
0x4e: {  	_ =	shalt  }
0x4f: {  	_ =	shalt  }
0x50: {  	_ =	shalt  }
0x51: {  	_ =	shalt  }
0x52: {  	_ =	shalt  }
0x53: {  	_ =	shalt  }
0x54: {  	_ =	shalt  }
0x55: {  	_ =	shalt  }
0x56: {  	_ =	shalt  }
0x57: {  	_ =	shalt  }
0x58: {  	_ =	shalt  }
0x59: {  	_ =	shalt  }
0x5a: {  	_ =	shalt  }
0x5b: {  	_ =	shalt  }
0x5c: {  	_ =	shalt  }
0x5d: {  	_ =	shalt  }
0x5e: {  	_ =	shalt  }
0x5f: {  	_ =	shalt  }
0x60: {  	_ =	shalt  }
0x61: {  	_ =	shalt  }
0x62: {  	_ =	shalt  }
0x63: {  	_ =	shalt  }
0x64: {  	_ =	shalt  }
0x65: {  	_ =	shalt  }
0x66: {  	_ =	shalt  }
0x67: {  	_ =	shalt  }
0x68: {  	_ =	shalt  }
0x69: {  	_ =	shalt  }
0x6a: {  	_ =	shalt  }
0x6b: {  	_ =	shalt  }
0x6c: {  	_ =	shalt  }
0x6d: {  	_ =	shalt  }
0x6e: {  	_ =	shalt  }
0x6f: {  	_ =	shalt  }
0x70: {  	_ =	shalt  }
0x71: {  	_ =	shalt  }
0x72: {  	_ =	shalt  }
0x73: {  	_ =	shalt  }
0x74: {  	_ =	shalt  }
0x75: {  	_ =	shalt  }
0x76: {  	_ =	shalt  }
0x77: {  	_ =	shalt  }
0x78: {  	_ =	shalt  }
0x79: {  	_ =	shalt  }
0x7a: {  	_ =	shalt  }
0x7b: {  	_ =	shalt  }
0x7c: {  	_ =	shalt  }
0x7d: {  	_ =	shalt  }
0x7e: {  	_ =	shalt  }
0x7f: {  	_ =	shalt  }
0x80: {  	_ =	shalt  }
0x81: {  	_ =	shalt  }
0x82: {  	_ =	shalt  }
0x83: {  	_ =	shalt  }
0x84: {  	_ =	shalt  }
0x85: {  	_ =	shalt  }
0x86: {  	_ =	shalt  }
0x87: {  	_ =	shalt  }
.Lfunc_end0:
.L_simem_size_0:
called_computation_lowered:
.L_overlay_start_0:
0x88: {  	s2 =	sld [smem:$0x3FD9]  }
0x89: {  	s3 =	sld [smem:$0x3FFE];
	_ =	sdelay $0x1  }
0x8a: {  	s1 =	srdreg.scid  }
0x8b: {  	s0 =	sand.u32 $0x1, s1  }
0x8c: {  	s17 =	sshll.u32 s0, $0xA;
	s2 =	sadd.s32 s3, s2  }
0x8d: {  	s2 =	sadd.s32 s2, s17  }
0x8e: {  	[smem:$0x3FC5] =	sst s2  }
0x8f: {  	_ = 	snop  }
0x90: {  	s2 =	sld [smem:$0x3FD0];
	(tm) =	ssettm $0x1  }
0x91: {  	s18 =	sld [smem:$0x3FFB];
	_ =	sdelay $0x3  }
0x92: {  	_ =	strace s18  }
0x93: {  	s3 =	sld [smem:$0x3FFC];
	_ =	sdelay $0x3  }
0x94: {  	_ =	strace s3  }
0x95: {  	s3 =	sld [smem:$0x3FFD];
	_ =	sdelay $0x3  }
0x96: {  	_ =	strace s3  }
0x97: {  	_ =	strace $0x8FFFFFFF  }
0x98: {  	s19 =	sld [smem:$0x3FDB];
	_ =	sdelay $0x1  }
0x99: {  	s4 =	simm.s32 $_scs_section_size  }
0x9a: {  	s5 =	simm.s32 $_size__tile_overlayer_lowered;
	s6 =	simm.s32 $_tile_overlayer_lowered  }
0x9b: {  	s22 =	simm.s32 $0x1BFF;
	s21 =	sshll.u32 s6, $0x1;
	s3 =	sadd.s32 s4, s19  }
0x9c: {  	s7 =	simm.s32 $0x0;
	s20 =	sshll.u32 s5, $0x1;
	s5 =	sadd.s32 s21, s3  }
0x9d: {  	[timem:s7], [sflag:s22] =	dma.local [hbm:s5], s20  }
0x9e: {  	_ =	swait.ge [sflag:s22], s20  }
0x9f: {  	s4 =	ssub.s32 $0x0, s20;
	[sflag:s22] =	ssyncset.done $0x0  }
0xa0: {  	[sflag:s22] =	ssyncadd.s32 s4;
	_ =	sdelay $0x1  }
0xa1: {  	s23 =	simm.s32 $0x1B8B  }
0xa2: {  	_ =	swait.ge [sflag:s23], $0x1  }
0xa3: {  	[sflag:s23] =	ssyncset.done $0x0  }
0xa4: {  	s25 =	simm.s32 $0x1B8E;
	s24 =	sld [smem:$0x3FFE];
	[sflag:s23] =	ssyncadd.s32 $0xFFFFFFFF  }
0xa5: {  	s26 =	simm.s32 $execute0_lowered;
	[smem:$0x3FD2] =	sst s25  }
0xa6: {  	s5 =	sshll.u32 s26, $0x1;
	_ =	strace $0x80000046;
	[dreg:$0x1] =	wrdreg $0xFFFFFFFF  }
0xa7: {  	s28 =	simm.s32 $_size_execute0_lowered;
	s3 =	sadd.s32 s3, s5;
	[dreg:$0x0] =	wrdreg $0x0  }
0xa8: {  	s5 =	sshll.u32 s28, $0x1;
	[dreg:$0x2] =	wrdreg s3  }
0xa9: {  	[dreg:$0x3] =	wrdreg s5  }
0xaa: {  	[dreg:$0x4] =	wrdreg $0xC0  }
0xab: {  	_ =	task [dreg:s7], $0x5FFFF  }
0xac: {  	[dreg:$0x1] =	wrdreg $0xFFFFFFFF  }
0xad: {  	[dreg:$0x0] =	wrdreg $0x60  }
0xae: {  	[dreg:$0x2] =	wrdreg s2  }
0xaf: {  	[dreg:$0x3] =	wrdreg s24  }
0xb0: {  	[dreg:$0x4] =	wrdreg $0x9  }
0xb1: {  	_ =	task.clear_ibuf [dreg:s7], $0x5FFFF;
	_ =	strace $0x90000046  }
0xb2: {  	s29 =	simm.s32 $0x9;
	_ =	strace $0x80000048  }
0xb3: {  	_ =	swait.ge [sflag:s29], $0x1  }
0xb4: {  	[sflag:s29] =	ssyncadd.s32 $0xFFFFFFFF  }
0xb5: {  	_ =	strace $0x90000048  }
0xb6: {  	_ =	sfence  }
0xb7: {  	s30 =	sld [smem:$0x0];
	_ =	sdelay $0x2  }
0xb8: {  	s31 =	sshll.u32 s1, $0xD;
	s1 =	sshrl.u32 s1, $0x2  }
0xb9: {  	s3 =	sand.u32 $0x4000, s31;
	s1 =	sadd.s32 s1, s30  }
0xba: {  	s0 =	sor.u32 s3, s0;
	s1 =	sshll.u32 s1, $0x11  }
0xbb: {  	s0 =	sor.u32 s1, s0  }
0xbc: {  	s0 =	sadd.s32 $0x8F2B, s0  }
0xbd: {  	[sflag:s0] =	ssyncadd.remote.s32 $0x1  }
0xbe: {  	_ =	sfence.sel $0xFFFF  }
0xbf: {  	[dreg:$0x0] =	wrdreg $0xFFFFFFFF;
	(pc) =	sbr.abs _section_cstart, $3  }
0xc0: {  	[dreg:$0x1] =	wrdreg $0xFFFFFFFF  }
0xc1: {  	_ =	task.clear_ibuf [dreg:s7], $0x2FFFF;
	_ =	strace $0x9FFFFFFF  }
0xc2: {  	(tm) =	ssettm $0x7FFFFFFF  }
0xc3: {  	_ =	shalt  }
tec
execute0_lowered:
.L_overlay_start_1:
0x0: {  	(tag) =	ssettag $0x1  }
0x1: {  	s1 =	rddreg [dreg:$0x0]  }
0x2: {  	s0 =	rddreg [dreg:$0x1];
	s3 =	simm.s32 $0x0  }
0x3: {  	s2 =	srdreg.scid;
	s4 =	stileid.u32;
	s13 =	simm.s32 $0x5  }
0x4: {  	s14 =	simm.s32 $0x80;
	s15 =	simm.s32 $0x1000;
	s28 =	simm.s32 $0x6D00  }
0x5: {  	s29 =	simm.s32 $0x1C00;
	s30 =	simm.s32 $0x7D00;
	s31 =	simm.s32 $0x1C80  }
0x6: {  	s17 =	simm.s32 $0x9D00;
	s18 =	simm.s32 $0x2;
	s19 =	simm.s32 $0xE100  }
0x7: {  	s21 =	simm.s32 $0x4;
	s22 =	simm.s32 $0x0;
	[smem:$0x7FF] =	sst s3  }
0x8: {  	s2 =	sand.u32 $0x1, s2;
	s5 =	sshll.u32 s4, $0x8;
	s4 =	sadd.s32 $0xF42C00, s0  }
0x9: {  	s23 =	sadd.s32 $0x800, s0;
	s7 =	sadd.s32 $0xC00, s0;
	s6 =	sshll.u32 s2, $0x7  }
0xa: {  	_ =	strace $0x80000047;
	s2 =	ssub.s32 $0x2, s2;
	s5 =	sor.u32 s6, s5  }
0xb: {  	v0 =	vlaneseq.u32;
	[dreg:$0x3] =	wrdreg s23;
	s24 =	sshrl.u32 s2, $0x1;
	s8 =	sshrl.u32 s5, $0x3  }
.Ltmp0:
0xc: {  	v0 =	vmul.u32 $0x88, v0;
	s25 =	ssub.s32 s2, s24;
	s10 =	sor.u32 $0x8000, s5;
	(pc) =	sbr.rel .LBB2_1-.Ltmp0, $4  }
0xd: {  	s11 =	sor.u32 $0xC000, s5;
	s24 =	simm.s32 $0x1B00;
	s26 =	sadd.s32 s1, s8  }
0xe: {  	v1 =	vadd.s32 $0x880, v0;
	s0 =	smax.u32 s25, $0x1;
	s25 =	simm.s32 $0x5D00;
	[dreg:$0x4] =	wrdreg s26  }
0xf: {  	v2 =	vadd.s32 $0x1100, v0;
	v3 =	vadd.s32 $0x1980, v0;
	v4 =	vadd.s32 $0x2200, v0;
	s2 =	sadd.s32 $0x800, s26;
	[dreg:$0x6] =	wrdreg s0;
	s26 =	simm.s32 $0x1B80  }
0x10: {  	v5 =	vadd.s32 $0x2A80, v0;
	v6 =	vadd.s32 $0x3300, v0;
	v7 =	vadd.s32 $0x3B80, v0;
	s0 =	simm.s32 $0x8D00;
	[dreg:$0x5] =	wrdreg s2;
	s2 =	simm.s32 $0x1  }
.LBB2_24:
0x11: {  	s6 =	simm.s32 $0x3  }
0x12: {  	_ =	swait.ge [sflag:s6], $0x4000  }
0x13: {  	[sflag:s6] =	ssyncset.done $0x0  }
0x14: {  	[sflag:s6] =	ssyncadd.s32 $0xFFFFC000  }
0x15: {  	_ =	swait.ge [sflag:s21], $0x4000  }
0x16: {  	s22 =	sadd.s32 $0x1, s22;
	s23 =	rddreg [dreg:$0x6]  }
0x17: {  	p0 =	sne.s32 s22, s23  }
.Ltmp1:
0x18: {  	_ = 	snop;
	(pc) =	sbr.rel @!p0 .LBB2_25-.Ltmp1, $3  }
0x19: {  	_ =	sdelay $0x1  }
0x1a: {  	[sflag:s21] =	ssyncset.done $0x0  }
0x1b: {  	[sflag:s21] =	ssyncadd.s32 $0xFFFFC000  }
.LBB2_1:
0x1c: {  	s6 =	rddreg [dreg:$0x3]  }
0x1d: {  	[tilespmem:s3], [sflag:$0x5] =	stream.linear.gather [hbm4b:s6+s3], $0x1900, $0x38;
	[tilespmem:$0x12500] =	vst v63  }
0x1e: {  	_ =	swait.ge [sflag:s13], $0x1900  }
0x1f: {  	[sflag:s13] =	ssyncset.done $0x0  }
0x20: {  	s8 =	simm.s32 $0x1900;
	s12 =	rddreg [dreg:$0x4];
	[sflag:s13] =	ssyncadd.s32 $0xFFFFE700  }
0x21: {  	[tilespmem:s8], [sflag:$0x5] =	stream.strided.gather [hbm4b:s12+s14], $0x200, s15, s14, $0x38;
	[tilespmem:$0x12500] =	vst v63  }
0x22: {  	_ =	swait.ge [sflag:s13], $0x200  }
0x23: {  	[sflag:s13] =	ssyncset.done $0x0  }
0x24: {  	s16 =	simm.s32 $0x1D00;
	[sflag:s13] =	ssyncadd.s32 $0xFFFFFE00  }
0x25: {  	[tilespmem:s16], [sflag:$0x1] =	stream.indirect.gather [hbm4b:s4+s14], $0x20, s8, s14, $0xb8;
	[tilespmem:$0x12500] =	vst v63  }
0x26: {  	s20 =	simm.s32 $0x1980;
	s23 =	simm.s32 $0x2D00  }
0x27: {  	[tilespmem:s23], [sflag:$0x1] =	stream.indirect.gather [hbm4b:s4+s14], $0x20, s20, s14, $0xb8;
	[tilespmem:$0x12500] =	vst v63  }
0x28: {  	s9 =	simm.s32 $0x1A00;
	s12 =	simm.s32 $0x3D00  }
0x29: {  	[tilespmem:s12], [sflag:$0x1] =	stream.indirect.gather [hbm4b:s4+s14], $0x20, s9, s14, $0xb8;
	[tilespmem:$0x12500] =	vst v63  }
0x2a: {  	s16 =	simm.s32 $0x1A80;
	s20 =	simm.s32 $0x4D00  }
0x2b: {  	[tilespmem:s20], [sflag:$0x1] =	stream.indirect.gather [hbm4b:s4+s14], $0x20, s16, s14, $0xb8;
	[tilespmem:$0x12500] =	vst v63  }
0x2c: {  	s23 =	rddreg [dreg:$0x5]  }
0x2d: {  	[tilespmem:s24], [sflag:$0x5] =	stream.strided.gather [hbm4b:s23+s14], $0x200, s15, s14, $0x38;
	[tilespmem:$0x12500] =	vst v63  }
0x2e: {  	_ =	swait.ge [sflag:s13], $0x200  }
0x2f: {  	[sflag:s13] =	ssyncset.done $0x0  }
0x30: {  	[sflag:s13] =	ssyncadd.s32 $0xFFFFFE00  }
0x31: {  	[tilespmem:s25], [sflag:$0x2] =	stream.indirect.gather [hbm4b:s4+s14], $0x20, s24, s14, $0xb8;
	[tilespmem:$0x12500] =	vst v63  }
0x32: {  	_ = 	snop  }
0x33: {  	[tilespmem:s28], [sflag:$0x2] =	stream.indirect.gather [hbm4b:s4+s14], $0x20, s26, s14, $0xb8;
	[tilespmem:$0x12500] =	vst v63  }
0x34: {  	_ = 	snop  }
0x35: {  	[tilespmem:s30], [sflag:$0x2] =	stream.indirect.gather [hbm4b:s4+s14], $0x20, s29, s14, $0xb8;
	[tilespmem:$0x12500] =	vst v63  }
0x36: {  	s23 =	simm.s32 $0x0  }
0x37: {  	[tilespmem:s0], [sflag:$0x2] =	stream.indirect.gather [hbm4b:s4+s14], $0x20, s31, s14, $0xb8;
	[tilespmem:$0x12500] =	vst v63  }
.LBB2_2:
0x38: {  	_ =	swait.ge [sflag:s2], $0x1000  }
0x39: {  	[sflag:s2] =	ssyncset.done $0x0  }
0x3a: {  	[sflag:s2] =	ssyncadd.s32 $0xFFFFF000  }
0x3b: {  	_ =	swait.ge [sflag:s2], $0x1000  }
0x3c: {  	[sflag:s2] =	ssyncset.done $0x0  }
0x3d: {  	[sflag:s2] =	ssyncadd.s32 $0xFFFFF000  }
0x3e: {  	_ =	swait.ge [sflag:s2], $0x1000  }
0x3f: {  	[sflag:s2] =	ssyncset.done $0x0  }
0x40: {  	[sflag:s2] =	ssyncadd.s32 $0xFFFFF000  }
0x41: {  	_ =	swait.ge [sflag:s2], $0x1000  }
0x42: {  	p0 =	seq.s32 s23, $0x0;
	[sflag:s2] =	ssyncset.done $0x0  }
0x43: {  	s6 =	simm.s32 @!p0 $0x3;
	[sflag:s2] =	ssyncadd.s32 $0xFFFFF000  }
0x44: {  	_ =	swait.ge @!p0 [sflag:s6], $0x4000  }
0x45: {  	s8 =	sshll.u32 s23, $0x8;
	[sflag:s6] =	ssyncset.done @!p0 $0x0  }
0x46: {  	[sflag:s6] =	ssyncadd.s32 @!p0 $0xFFFFC000;
	s6 =	sand.u32 $0x3FFFFF00, s8  }
0x47: {  	v9 =	vld [tilespmem:s6+$0x0]  }
0x48: {  	s9 =	simm.s32 $0x3;
	s8 =	simm.s32 $0x1D40;
	v8 =	vld [tilespmem:s6+$0x10]  }
0x49: {  	v10 =	vmov s9;
	v12 =	vld [tilespmem:s8+$0x20]  }
0x4a: {  	s12 =	simm.s32 $0x0;
	v10 =	vand.u32 $0x7F, v10;
	v14 =	vld [tilespmem:s8+$0x30]  }
0x4b: {  	v11 =	vmov s12;
	v17 =	vadd.s32 v0, v10;
	v15 =	vld [tilespmem:s8+$0xFFFFFFC0]  }
0x4c: {  	s16 =	simm.s32 $0x1;
	v11 =	vand.u32 $0x7C, v11;
	v24 =	vadd.s32 v1, v10;
	v19 =	vld [tilespmem:s8+$0xFFFFFFD0]  }
0x4d: {  	v13 =	vmov s16;
	v16 =	vadd.s32 v0, v11;
	v18 =	vld [tilespmem:s8+$0xFFFFFFE0]  }
0x4e: {  	s20 =	simm.s32 $0x2;
	v21 =	vand.u32 $0x7D, v13;
	v10 =	vadd.s32 v1, v11;
	v11 =	vld [tilespmem:s8+$0xFFFFFFF0];
	v22 =	vadd.f32 v12, v9  }
0x4f: {  	v23 =	vmov s20;
	v13 =	vld [tilespmem:s8+$0x0];
	v12 =	vadd.s32 v0, v21;
	v25 =	vadd.f32 v14, v8  }
0x50: {  	s20 =	simm.s32 $0x7;
	s9 =	simm.s32 $0x1DC0;
	v20 =	vadd.f32 v15, v9;
	v14 =	vadd.s32 v1, v21;
	v15 =	vld [tilespmem:s8+$0x10];
	v21 =	vand.u32 $0x7E, v23;
	[tilespmem:v17+s17+$0x0] =	vst.idx.msk $0xffff, v22  }
0x51: {  	s16 =	sshll.u32 s23, $0x1;
	s12 =	simm.s32 $0x4;
	v23 =	vmov s20;
	s8 =	simm.s32 $0x8;
	v17 =	vld [tilespmem:s9+$0x20];
	v22 =	vadd.f32 v19, v8;
	v19 =	vadd.s32 v0, v21;
	[tilespmem:v24+s17+$0x0] =	vst.idx.msk $0xffff, v25  }
.LBB2_3:
0x52: {  	p1 =	slt.u32 s8, $0x7C;
	v24 =	vld [tilespmem:s9+$0x30];
	v23 =	vand.u32 $0x7F, v23;
	[tilespmem:v16+s17+$0x0] =	vst.idx.msk $0xffff, v20;
	v16 =	vadd.f32 v18, v9;
	v20 =	vadd.s32 v1, v21  }
0x53: {  	v18 =	vmov s12;
	v21 =	vld [tilespmem:s9+$0xFFFFFFC0];
	v25 =	vadd.s32 v0, v23;
	[tilespmem:v10+s17+$0x0] =	vst.idx.msk $0xffff, v22;
	v10 =	vadd.f32 v11, v8  }
0x54: {  	s20 =	sadd.s32 $0x1, s12;
	v11 =	vand.u32 $0x7C, v18;
	v26 =	vadd.s32 v1, v23;
	v22 =	vld [tilespmem:s9+$0xFFFFFFD0];
	[tilespmem:v12+s17+$0x0] =	vst.idx.msk $0xffff, v16;
	v12 =	vadd.f32 v13, v9  }
.Ltmp2:
0x55: {  	v16 =	vadd.s32 v0, v11;
	v13 =	vmov s20;
	v18 =	vld [tilespmem:s9+$0xFFFFFFE0];
	[tilespmem:v14+s17+$0x0] =	vst.idx.msk $0xffff, v10;
	v14 =	vadd.f32 v15, v8;
	(pc) =	sbr.rel @p1 .LBB2_3-.Ltmp2, $4  }
0x56: {  	s20 =	sadd.s32 $0x2, s12;
	s12 =	smov.u32 s8;
	v10 =	vadd.s32 v1, v11;
	v15 =	vand.u32 $0x7D, v13;
	v11 =	vld [tilespmem:s9+$0xFFFFFFF0];
	v17 =	vadd.f32 v17, v9;
	[tilespmem:v19+s17+$0x0] =	vst.idx.msk $0xffff, v12  }
0x57: {  	v12 =	vadd.s32 v0, v15;
	v19 =	vmov s20;
	v13 =	vld [tilespmem:s9+$0x0];
	v24 =	vadd.f32 v24, v8;
	[tilespmem:v20+s17+$0x0] =	vst.idx.msk $0xffff, v14  }
0x58: {  	s20 =	sadd.s32 $0x3, s8;
	v14 =	vadd.s32 v1, v15;
	v20 =	vadd.f32 v21, v9;
	v15 =	vld [tilespmem:s9+$0x10];
	v21 =	vand.u32 $0x7E, v19;
	[tilespmem:v25+s17+$0x0] =	vst.idx.msk $0xffff, v17;
	s9 =	sadd.s32 $0x80, s9  }
0x59: {  	s8 =	sadd.s32 $0x4, s8;
	v23 =	vmov s20;
	v17 =	vld [tilespmem:s9+$0x20];
	v22 =	vadd.f32 v22, v8;
	v19 =	vadd.s32 v0, v21;
	[tilespmem:v26+s17+$0x0] =	vst.idx.msk $0xffff, v24  }
0x5a: {  	_ =	sdelay $0x3  }
0x5b: {  	v24 =	vld [tilespmem:s9+$0x30];
	v23 =	vand.u32 $0x7F, v23;
	[tilespmem:v16+s17+$0x0] =	vst.idx.msk $0xffff, v20;
	v16 =	vadd.f32 v18, v9;
	v18 =	vadd.s32 v1, v21  }
0x5c: {  	v20 =	vmov s12;
	v21 =	vld [tilespmem:s9+$0xFFFFFFC0];
	v25 =	vadd.s32 v0, v23;
	[tilespmem:v10+s17+$0x0] =	vst.idx.msk $0xffff, v22;
	v10 =	vadd.f32 v11, v8  }
0x5d: {  	s8 =	sadd.s32 $0x1, s12;
	v11 =	vld [tilespmem:s9+$0xFFFFFFD0];
	v20 =	vand.u32 $0x7C, v20;
	v22 =	vadd.s32 v1, v23;
	[tilespmem:v12+s17+$0x0] =	vst.idx.msk $0xffff, v16;
	v12 =	vadd.f32 v13, v9  }
0x5e: {  	v23 =	vld [tilespmem:s9+$0xFFFFFFE0];
	v13 =	vadd.s32 v0, v20;
	v16 =	vmov s8;
	[tilespmem:v14+s17+$0x0] =	vst.idx.msk $0xffff, v10;
	v10 =	vadd.f32 v15, v8  }
0x5f: {  	s20 =	sadd.s32 $0x2, s12;
	v14 =	vadd.s32 v1, v20;
	v15 =	vld [tilespmem:s9+$0xFFFFFFF0];
	v16 =	vand.u32 $0x7D, v16;
	v17 =	vadd.f32 v17, v9;
	[tilespmem:v19+s17+$0x0] =	vst.idx.msk $0xffff, v12  }
0x60: {  	v20 =	vld [tilespmem:s9+$0x0];
	v12 =	vadd.s32 v0, v16;
	v19 =	vmov s20;
	v24 =	vadd.f32 v24, v8;
	[tilespmem:v18+s17+$0x0] =	vst.idx.msk $0xffff, v10  }
0x61: {  	v16 =	vadd.s32 v1, v16;
	v10 =	vadd.f32 v21, v9;
	v18 =	vld [tilespmem:s9+$0x10];
	v19 =	vand.u32 $0x7E, v19;
	[tilespmem:v25+s17+$0x0] =	vst.idx.msk $0xffff, v17  }
0x62: {  	v11 =	vadd.f32 v11, v8;
	v17 =	vadd.s32 v0, v19;
	[tilespmem:v22+s17+$0x0] =	vst.idx.msk $0xffff, v24  }
0x63: {  	[tilespmem:v13+s17+$0x0] =	vst.idx.msk $0xffff, v10;
	v10 =	vadd.f32 v23, v9;
	v13 =	vadd.s32 v1, v19  }
0x64: {  	[tilespmem:v14+s17+$0x0] =	vst.idx.msk $0xffff, v11;
	v11 =	vadd.f32 v15, v8  }
0x65: {  	v9 =	vadd.f32 v20, v9;
	[tilespmem:v12+s17+$0x0] =	vst.idx.msk $0xffff, v10  }
0x66: {  	[tilespmem:v16+s17+$0x0] =	vst.idx.msk $0xffff, v11;
	v8 =	vadd.f32 v18, v8  }
0x67: {  	[tilespmem:v17+s17+$0x0] =	vst.idx.msk $0xffff, v9  }
0x68: {  	[tilespmem:v13+s17+$0x0] =	vst.idx.msk $0xffff, v8  }
0x69: {  	v9 =	vld [tilespmem:s6+$0x20]  }
0x6a: {  	s12 =	simm.s32 $0x3;
	s8 =	simm.s32 $0x2D70;
	v8 =	vld [tilespmem:s6+$0x30]  }
0x6b: {  	v10 =	vmov s12;
	v12 =	vld [tilespmem:s8+$0xFFFFFFF0]  }
0x6c: {  	s20 =	simm.s32 $0x0;
	v10 =	vand.u32 $0x7F, v10;
	v14 =	vld [tilespmem:s8+$0x0]  }
0x6d: {  	v11 =	vmov s20;
	v17 =	vadd.s32 v2, v10;
	v15 =	vld [tilespmem:s8+$0xFFFFFF90]  }
0x6e: {  	s12 =	simm.s32 $0x1;
	v11 =	vand.u32 $0x7C, v11;
	v62 =	vadd.s32 v3, v10;
	v19 =	vld [tilespmem:s8+$0xFFFFFFA0]  }
0x6f: {  	v16 =	vadd.s32 v2, v11;
	v13 =	vmov s12;
	v18 =	vld [tilespmem:s8+$0xFFFFFFB0]  }
0x70: {  	s20 =	simm.s32 $0x2;
	v10 =	vadd.s32 v3, v11;
	v11 =	vld [tilespmem:s8+$0xFFFFFFC0];
	v21 =	vand.u32 $0x7D, v13;
	v22 =	vadd.f32 v12, v9  }
0x71: {  	v23 =	vmov s20;
	v13 =	vld [tilespmem:s8+$0xFFFFFFD0];
	v12 =	vadd.s32 v2, v21;
	v63 =	vadd.f32 v14, v8  }
0x72: {  	s9 =	simm.s32 $0x2DF0;
	s20 =	simm.s32 $0x7;
	v20 =	vadd.f32 v15, v9;
	v14 =	vadd.s32 v3, v21;
	v15 =	vld [tilespmem:s8+$0xFFFFFFE0];
	v21 =	vand.u32 $0x7E, v23;
	[tilespmem:v17+s17+$0x0] =	vst.idx.msk $0xffff, v22  }
0x73: {  	s12 =	simm.s32 $0x4;
	v23 =	vmov s20;
	s8 =	simm.s32 $0x8;
	v17 =	vld [tilespmem:s9+$0xFFFFFFF0];
	v22 =	vadd.f32 v19, v8;
	v19 =	vadd.s32 v2, v21;
	[tilespmem:v62+s17+$0x0] =	vst.idx.msk $0xffff, v63  }
.LBB2_5:
0x74: {  	p1 =	slt.u32 s8, $0x7C;
	v24 =	vld [tilespmem:s9+$0x0];
	v23 =	vand.u32 $0x7F, v23;
	[tilespmem:v16+s17+$0x0] =	vst.idx.msk $0xffff, v20;
	v16 =	vadd.f32 v18, v9;
	v20 =	vadd.s32 v3, v21  }
0x75: {  	v18 =	vmov s12;
	v21 =	vld [tilespmem:s9+$0xFFFFFF90];
	v25 =	vadd.s32 v2, v23;
	[tilespmem:v10+s17+$0x0] =	vst.idx.msk $0xffff, v22;
	v10 =	vadd.f32 v11, v8  }
0x76: {  	s20 =	sadd.s32 $0x1, s12;
	v11 =	vand.u32 $0x7C, v18;
	v26 =	vadd.s32 v3, v23;
	v22 =	vld [tilespmem:s9+$0xFFFFFFA0];
	[tilespmem:v12+s17+$0x0] =	vst.idx.msk $0xffff, v16;
	v12 =	vadd.f32 v13, v9  }
.Ltmp3:
0x77: {  	v16 =	vadd.s32 v2, v11;
	v13 =	vmov s20;
	v18 =	vld [tilespmem:s9+$0xFFFFFFB0];
	[tilespmem:v14+s17+$0x0] =	vst.idx.msk $0xffff, v10;
	v14 =	vadd.f32 v15, v8;
	(pc) =	sbr.rel @p1 .LBB2_5-.Ltmp3, $4  }
0x78: {  	s20 =	sadd.s32 $0x2, s12;
	s12 =	smov.u32 s8;
	v10 =	vadd.s32 v3, v11;
	v15 =	vand.u32 $0x7D, v13;
	v11 =	vld [tilespmem:s9+$0xFFFFFFC0];
	v17 =	vadd.f32 v17, v9;
	[tilespmem:v19+s17+$0x0] =	vst.idx.msk $0xffff, v12  }
0x79: {  	v12 =	vadd.s32 v2, v15;
	v19 =	vmov s20;
	v13 =	vld [tilespmem:s9+$0xFFFFFFD0];
	v24 =	vadd.f32 v24, v8;
	[tilespmem:v20+s17+$0x0] =	vst.idx.msk $0xffff, v14  }
0x7a: {  	s20 =	sadd.s32 $0x3, s8;
	v14 =	vadd.s32 v3, v15;
	v20 =	vadd.f32 v21, v9;
	v15 =	vld [tilespmem:s9+$0xFFFFFFE0];
	v21 =	vand.u32 $0x7E, v19;
	[tilespmem:v25+s17+$0x0] =	vst.idx.msk $0xffff, v17;
	s9 =	sadd.s32 $0x80, s9  }
0x7b: {  	s8 =	sadd.s32 $0x4, s8;
	v23 =	vmov s20;
	v17 =	vld [tilespmem:s9+$0xFFFFFFF0];
	v22 =	vadd.f32 v22, v8;
	v19 =	vadd.s32 v2, v21;
	[tilespmem:v26+s17+$0x0] =	vst.idx.msk $0xffff, v24  }
0x7c: {  	_ =	sdelay $0x3  }
0x7d: {  	v24 =	vld [tilespmem:s9+$0x0];
	v23 =	vand.u32 $0x7F, v23;
	[tilespmem:v16+s17+$0x0] =	vst.idx.msk $0xffff, v20;
	v16 =	vadd.f32 v18, v9;
	v18 =	vadd.s32 v3, v21  }
0x7e: {  	v20 =	vmov s12;
	v21 =	vld [tilespmem:s9+$0xFFFFFF90];
	v25 =	vadd.s32 v2, v23;
	[tilespmem:v10+s17+$0x0] =	vst.idx.msk $0xffff, v22;
	v10 =	vadd.f32 v11, v8  }
0x7f: {  	s8 =	sadd.s32 $0x1, s12;
	v11 =	vld [tilespmem:s9+$0xFFFFFFA0];
	v20 =	vand.u32 $0x7C, v20;
	v22 =	vadd.s32 v3, v23;
	[tilespmem:v12+s17+$0x0] =	vst.idx.msk $0xffff, v16;
	v12 =	vadd.f32 v13, v9  }
0x80: {  	v23 =	vld [tilespmem:s9+$0xFFFFFFB0];
	v13 =	vadd.s32 v2, v20;
	v16 =	vmov s8;
	[tilespmem:v14+s17+$0x0] =	vst.idx.msk $0xffff, v10;
	v10 =	vadd.f32 v15, v8  }
0x81: {  	s20 =	sadd.s32 $0x2, s12;
	v14 =	vadd.s32 v3, v20;
	v15 =	vld [tilespmem:s9+$0xFFFFFFC0];
	v16 =	vand.u32 $0x7D, v16;
	v17 =	vadd.f32 v17, v9;
	[tilespmem:v19+s17+$0x0] =	vst.idx.msk $0xffff, v12  }
0x82: {  	v20 =	vld [tilespmem:s9+$0xFFFFFFD0];
	v12 =	vadd.s32 v2, v16;
	v19 =	vmov s20;
	v24 =	vadd.f32 v24, v8;
	[tilespmem:v18+s17+$0x0] =	vst.idx.msk $0xffff, v10  }
0x83: {  	v16 =	vadd.s32 v3, v16;
	v10 =	vadd.f32 v21, v9;
	v18 =	vld [tilespmem:s9+$0xFFFFFFE0];
	v19 =	vand.u32 $0x7E, v19;
	[tilespmem:v25+s17+$0x0] =	vst.idx.msk $0xffff, v17  }
0x84: {  	v11 =	vadd.f32 v11, v8;
	v17 =	vadd.s32 v2, v19;
	[tilespmem:v22+s17+$0x0] =	vst.idx.msk $0xffff, v24  }
0x85: {  	[tilespmem:v13+s17+$0x0] =	vst.idx.msk $0xffff, v10;
	v10 =	vadd.f32 v23, v9;
	v13 =	vadd.s32 v3, v19  }
0x86: {  	[tilespmem:v14+s17+$0x0] =	vst.idx.msk $0xffff, v11;
	v11 =	vadd.f32 v15, v8  }
0x87: {  	v9 =	vadd.f32 v20, v9;
	[tilespmem:v12+s17+$0x0] =	vst.idx.msk $0xffff, v10  }
0x88: {  	[tilespmem:v16+s17+$0x0] =	vst.idx.msk $0xffff, v11;
	v8 =	vadd.f32 v18, v8  }
0x89: {  	[tilespmem:v17+s17+$0x0] =	vst.idx.msk $0xffff, v9  }
0x8a: {  	[tilespmem:v13+s17+$0x0] =	vst.idx.msk $0xffff, v8  }
0x8b: {  	v9 =	vld [tilespmem:s6+$0x40]  }
0x8c: {  	s12 =	simm.s32 $0x3;
	s8 =	simm.s32 $0x3D70;
	v8 =	vld [tilespmem:s6+$0x50]  }
0x8d: {  	v10 =	vmov s12;
	v12 =	vld [tilespmem:s8+$0xFFFFFFF0]  }
0x8e: {  	s20 =	simm.s32 $0x0;
	v10 =	vand.u32 $0x7F, v10;
	v14 =	vld [tilespmem:s8+$0x0]  }
0x8f: {  	v11 =	vmov s20;
	v17 =	vadd.s32 v4, v10;
	v15 =	vld [tilespmem:s8+$0xFFFFFF90]  }
0x90: {  	s12 =	simm.s32 $0x1;
	v11 =	vand.u32 $0x7C, v11;
	v62 =	vadd.s32 v5, v10;
	v19 =	vld [tilespmem:s8+$0xFFFFFFA0]  }
0x91: {  	v16 =	vadd.s32 v4, v11;
	v13 =	vmov s12;
	v18 =	vld [tilespmem:s8+$0xFFFFFFB0]  }
0x92: {  	s20 =	simm.s32 $0x2;
	v10 =	vadd.s32 v5, v11;
	v11 =	vld [tilespmem:s8+$0xFFFFFFC0];
	v21 =	vand.u32 $0x7D, v13;
	v22 =	vadd.f32 v12, v9  }
0x93: {  	v23 =	vmov s20;
	v13 =	vld [tilespmem:s8+$0xFFFFFFD0];
	v12 =	vadd.s32 v4, v21;
	v63 =	vadd.f32 v14, v8  }
0x94: {  	s9 =	simm.s32 $0x3DF0;
	s20 =	simm.s32 $0x7;
	v20 =	vadd.f32 v15, v9;
	v14 =	vadd.s32 v5, v21;
	v15 =	vld [tilespmem:s8+$0xFFFFFFE0];
	v21 =	vand.u32 $0x7E, v23;
	[tilespmem:v17+s17+$0x0] =	vst.idx.msk $0xffff, v22  }
0x95: {  	s12 =	simm.s32 $0x4;
	v23 =	vmov s20;
	s8 =	simm.s32 $0x8;
	v17 =	vld [tilespmem:s9+$0xFFFFFFF0];
	v22 =	vadd.f32 v19, v8;
	v19 =	vadd.s32 v4, v21;
	[tilespmem:v62+s17+$0x0] =	vst.idx.msk $0xffff, v63  }
.LBB2_7:
0x96: {  	p1 =	slt.u32 s8, $0x7C;
	v24 =	vld [tilespmem:s9+$0x0];
	v23 =	vand.u32 $0x7F, v23;
	[tilespmem:v16+s17+$0x0] =	vst.idx.msk $0xffff, v20;
	v16 =	vadd.f32 v18, v9;
	v20 =	vadd.s32 v5, v21  }
0x97: {  	v18 =	vmov s12;
	v21 =	vld [tilespmem:s9+$0xFFFFFF90];
	v25 =	vadd.s32 v4, v23;
	[tilespmem:v10+s17+$0x0] =	vst.idx.msk $0xffff, v22;
	v10 =	vadd.f32 v11, v8  }
0x98: {  	s20 =	sadd.s32 $0x1, s12;
	v11 =	vand.u32 $0x7C, v18;
	v26 =	vadd.s32 v5, v23;
	v22 =	vld [tilespmem:s9+$0xFFFFFFA0];
	[tilespmem:v12+s17+$0x0] =	vst.idx.msk $0xffff, v16;
	v12 =	vadd.f32 v13, v9  }
.Ltmp4:
0x99: {  	v16 =	vadd.s32 v4, v11;
	v13 =	vmov s20;
	v18 =	vld [tilespmem:s9+$0xFFFFFFB0];
	[tilespmem:v14+s17+$0x0] =	vst.idx.msk $0xffff, v10;
	v14 =	vadd.f32 v15, v8;
	(pc) =	sbr.rel @p1 .LBB2_7-.Ltmp4, $4  }
0x9a: {  	s20 =	sadd.s32 $0x2, s12;
	s12 =	smov.u32 s8;
	v10 =	vadd.s32 v5, v11;
	v15 =	vand.u32 $0x7D, v13;
	v11 =	vld [tilespmem:s9+$0xFFFFFFC0];
	v17 =	vadd.f32 v17, v9;
	[tilespmem:v19+s17+$0x0] =	vst.idx.msk $0xffff, v12  }
0x9b: {  	v12 =	vadd.s32 v4, v15;
	v19 =	vmov s20;
	v13 =	vld [tilespmem:s9+$0xFFFFFFD0];
	v24 =	vadd.f32 v24, v8;
	[tilespmem:v20+s17+$0x0] =	vst.idx.msk $0xffff, v14  }
0x9c: {  	s20 =	sadd.s32 $0x3, s8;
	v14 =	vadd.s32 v5, v15;
	v20 =	vadd.f32 v21, v9;
	v15 =	vld [tilespmem:s9+$0xFFFFFFE0];
	v21 =	vand.u32 $0x7E, v19;
	[tilespmem:v25+s17+$0x0] =	vst.idx.msk $0xffff, v17;
	s9 =	sadd.s32 $0x80, s9  }
0x9d: {  	s8 =	sadd.s32 $0x4, s8;
	v23 =	vmov s20;
	v17 =	vld [tilespmem:s9+$0xFFFFFFF0];
	v22 =	vadd.f32 v22, v8;
	v19 =	vadd.s32 v4, v21;
	[tilespmem:v26+s17+$0x0] =	vst.idx.msk $0xffff, v24  }
0x9e: {  	_ =	sdelay $0x3  }
0x9f: {  	v24 =	vld [tilespmem:s9+$0x0];
	v23 =	vand.u32 $0x7F, v23;
	[tilespmem:v16+s17+$0x0] =	vst.idx.msk $0xffff, v20;
	v16 =	vadd.f32 v18, v9;
	v18 =	vadd.s32 v5, v21  }
0xa0: {  	v20 =	vmov s12;
	v21 =	vld [tilespmem:s9+$0xFFFFFF90];
	v25 =	vadd.s32 v4, v23;
	[tilespmem:v10+s17+$0x0] =	vst.idx.msk $0xffff, v22;
	v10 =	vadd.f32 v11, v8  }
0xa1: {  	s8 =	sadd.s32 $0x1, s12;
	v11 =	vld [tilespmem:s9+$0xFFFFFFA0];
	v20 =	vand.u32 $0x7C, v20;
	v22 =	vadd.s32 v5, v23;
	[tilespmem:v12+s17+$0x0] =	vst.idx.msk $0xffff, v16;
	v12 =	vadd.f32 v13, v9  }
0xa2: {  	v23 =	vld [tilespmem:s9+$0xFFFFFFB0];
	v13 =	vadd.s32 v4, v20;
	v16 =	vmov s8;
	[tilespmem:v14+s17+$0x0] =	vst.idx.msk $0xffff, v10;
	v10 =	vadd.f32 v15, v8  }
0xa3: {  	s20 =	sadd.s32 $0x2, s12;
	v14 =	vadd.s32 v5, v20;
	v15 =	vld [tilespmem:s9+$0xFFFFFFC0];
	v16 =	vand.u32 $0x7D, v16;
	v17 =	vadd.f32 v17, v9;
	[tilespmem:v19+s17+$0x0] =	vst.idx.msk $0xffff, v12  }
0xa4: {  	v20 =	vld [tilespmem:s9+$0xFFFFFFD0];
	v12 =	vadd.s32 v4, v16;
	v19 =	vmov s20;
	v24 =	vadd.f32 v24, v8;
	[tilespmem:v18+s17+$0x0] =	vst.idx.msk $0xffff, v10  }
0xa5: {  	v16 =	vadd.s32 v5, v16;
	v10 =	vadd.f32 v21, v9;
	v18 =	vld [tilespmem:s9+$0xFFFFFFE0];
	v19 =	vand.u32 $0x7E, v19;
	[tilespmem:v25+s17+$0x0] =	vst.idx.msk $0xffff, v17  }
0xa6: {  	v11 =	vadd.f32 v11, v8;
	v17 =	vadd.s32 v4, v19;
	[tilespmem:v22+s17+$0x0] =	vst.idx.msk $0xffff, v24  }
0xa7: {  	[tilespmem:v13+s17+$0x0] =	vst.idx.msk $0xffff, v10;
	v10 =	vadd.f32 v23, v9;
	v13 =	vadd.s32 v5, v19  }
0xa8: {  	[tilespmem:v14+s17+$0x0] =	vst.idx.msk $0xffff, v11;
	v11 =	vadd.f32 v15, v8  }
0xa9: {  	v9 =	vadd.f32 v20, v9;
	[tilespmem:v12+s17+$0x0] =	vst.idx.msk $0xffff, v10  }
0xaa: {  	[tilespmem:v16+s17+$0x0] =	vst.idx.msk $0xffff, v11;
	v8 =	vadd.f32 v18, v8  }
0xab: {  	[tilespmem:v17+s17+$0x0] =	vst.idx.msk $0xffff, v9  }
0xac: {  	[tilespmem:v13+s17+$0x0] =	vst.idx.msk $0xffff, v8  }
0xad: {  	v9 =	vld [tilespmem:s6+$0x60]  }
0xae: {  	s12 =	simm.s32 $0x3;
	v8 =	vld [tilespmem:s6+$0x70];
	s6 =	simm.s32 $0x4D70  }
0xaf: {  	v10 =	vmov s12;
	v12 =	vld [tilespmem:s6+$0xFFFFFFF0]  }
0xb0: {  	s20 =	simm.s32 $0x0;
	v10 =	vand.u32 $0x7F, v10;
	v14 =	vld [tilespmem:s6+$0x0]  }
0xb1: {  	v11 =	vmov s20;
	v17 =	vadd.s32 v6, v10;
	v15 =	vld [tilespmem:s6+$0xFFFFFF90]  }
0xb2: {  	s9 =	simm.s32 $0x1;
	v11 =	vand.u32 $0x7C, v11;
	v62 =	vadd.s32 v7, v10;
	v19 =	vld [tilespmem:s6+$0xFFFFFFA0]  }
0xb3: {  	v16 =	vadd.s32 v6, v11;
	v13 =	vmov s9;
	v18 =	vld [tilespmem:s6+$0xFFFFFFB0]  }
0xb4: {  	s12 =	simm.s32 $0x2;
	v10 =	vadd.s32 v7, v11;
	v21 =	vand.u32 $0x7D, v13;
	v11 =	vld [tilespmem:s6+$0xFFFFFFC0];
	v22 =	vadd.f32 v12, v9  }
0xb5: {  	v23 =	vmov s12;
	v13 =	vld [tilespmem:s6+$0xFFFFFFD0];
	v12 =	vadd.s32 v6, v21;
	v63 =	vadd.f32 v14, v8  }
0xb6: {  	s20 =	simm.s32 $0x7;
	v20 =	vadd.f32 v15, v9;
	v14 =	vadd.s32 v7, v21;
	v15 =	vld [tilespmem:s6+$0xFFFFFFE0];
	v21 =	vand.u32 $0x7E, v23;
	s6 =	simm.s32 $0x4DF0;
	[tilespmem:v17+s17+$0x0] =	vst.idx.msk $0xffff, v22  }
0xb7: {  	s8 =	simm.s32 $0x8;
	s9 =	simm.s32 $0x4;
	v23 =	vmov s20;
	v17 =	vld [tilespmem:s6+$0xFFFFFFF0];
	v22 =	vadd.f32 v19, v8;
	v19 =	vadd.s32 v6, v21;
	[tilespmem:v62+s17+$0x0] =	vst.idx.msk $0xffff, v63  }
.LBB2_9:
0xb8: {  	p1 =	slt.u32 s8, $0x7C;
	v24 =	vld [tilespmem:s6+$0x0];
	v23 =	vand.u32 $0x7F, v23;
	[tilespmem:v16+s17+$0x0] =	vst.idx.msk $0xffff, v20;
	v16 =	vadd.f32 v18, v9;
	v20 =	vadd.s32 v7, v21  }
0xb9: {  	v18 =	vmov s9;
	v21 =	vld [tilespmem:s6+$0xFFFFFF90];
	v25 =	vadd.s32 v6, v23;
	[tilespmem:v10+s17+$0x0] =	vst.idx.msk $0xffff, v22;
	v10 =	vadd.f32 v11, v8  }
0xba: {  	s12 =	sadd.s32 $0x1, s9;
	v11 =	vand.u32 $0x7C, v18;
	v26 =	vadd.s32 v7, v23;
	v22 =	vld [tilespmem:s6+$0xFFFFFFA0];
	[tilespmem:v12+s17+$0x0] =	vst.idx.msk $0xffff, v16;
	v12 =	vadd.f32 v13, v9  }
.Ltmp5:
0xbb: {  	v16 =	vadd.s32 v6, v11;
	v13 =	vmov s12;
	v18 =	vld [tilespmem:s6+$0xFFFFFFB0];
	[tilespmem:v14+s17+$0x0] =	vst.idx.msk $0xffff, v10;
	v14 =	vadd.f32 v15, v8;
	(pc) =	sbr.rel @p1 .LBB2_9-.Ltmp5, $4  }
0xbc: {  	s12 =	sadd.s32 $0x2, s9;
	s9 =	smov.u32 s8;
	v10 =	vadd.s32 v7, v11;
	v15 =	vand.u32 $0x7D, v13;
	v11 =	vld [tilespmem:s6+$0xFFFFFFC0];
	v17 =	vadd.f32 v17, v9;
	[tilespmem:v19+s17+$0x0] =	vst.idx.msk $0xffff, v12  }
0xbd: {  	v12 =	vadd.s32 v6, v15;
	v19 =	vmov s12;
	v13 =	vld [tilespmem:s6+$0xFFFFFFD0];
	v24 =	vadd.f32 v24, v8;
	[tilespmem:v20+s17+$0x0] =	vst.idx.msk $0xffff, v14  }
0xbe: {  	s12 =	sadd.s32 $0x3, s8;
	v14 =	vadd.s32 v7, v15;
	v20 =	vadd.f32 v21, v9;
	v15 =	vld [tilespmem:s6+$0xFFFFFFE0];
	v21 =	vand.u32 $0x7E, v19;
	[tilespmem:v25+s17+$0x0] =	vst.idx.msk $0xffff, v17;
	s6 =	sadd.s32 $0x80, s6  }
0xbf: {  	s8 =	sadd.s32 $0x4, s8;
	v23 =	vmov s12;
	v17 =	vld [tilespmem:s6+$0xFFFFFFF0];
	v22 =	vadd.f32 v22, v8;
	v19 =	vadd.s32 v6, v21;
	[tilespmem:v26+s17+$0x0] =	vst.idx.msk $0xffff, v24  }
0xc0: {  	_ =	sdelay $0x3  }
0xc1: {  	v24 =	vld [tilespmem:s6+$0x0];
	v23 =	vand.u32 $0x7F, v23;
	[tilespmem:v16+s17+$0x0] =	vst.idx.msk $0xffff, v20;
	v40 =	vadd.f32 v18, v9;
	v41 =	vadd.s32 v7, v21  }
0xc2: {  	v42 =	vmov s9;
	v43 =	vld [tilespmem:s6+$0xFFFFFF90];
	v25 =	vadd.s32 v6, v23;
	[tilespmem:v10+s17+$0x0] =	vst.idx.msk $0xffff, v22;
	v44 =	vadd.f32 v11, v8  }
0xc3: {  	v45 =	vld [tilespmem:s6+$0xFFFFFFA0];
	s8 =	sadd.s32 $0x1, s9;
	v20 =	vand.u32 $0x7C, v42;
	v46 =	vadd.s32 v7, v23;
	[tilespmem:v12+s17+$0x0] =	vst.idx.msk $0xffff, v40;
	v47 =	vadd.f32 v13, v9  }
0xc4: {  	v50 =	vld [tilespmem:s6+$0xFFFFFFB0];
	v49 =	vmov s8;
	v48 =	vadd.s32 v6, v20;
	[tilespmem:v14+s17+$0x0] =	vst.idx.msk $0xffff, v44;
	v51 =	vadd.f32 v15, v8  }
0xc5: {  	v53 =	vld [tilespmem:s6+$0xFFFFFFC0];
	s12 =	sadd.s32 $0x2, s9;
	v52 =	vadd.s32 v7, v20;
	v16 =	vand.u32 $0x7D, v49;
	v17 =	vadd.f32 v17, v9;
	[tilespmem:v19+s17+$0x0] =	vst.idx.msk $0xffff, v47  }
0xc6: {  	v56 =	vld [tilespmem:s6+$0xFFFFFFD0];
	v55 =	vmov s12;
	v54 =	vadd.s32 v6, v16;
	v24 =	vadd.f32 v24, v8;
	[tilespmem:v41+s17+$0x0] =	vst.idx.msk $0xffff, v51  }
0xc7: {  	v58 =	vld [tilespmem:s6+$0xFFFFFFE0];
	v16 =	vadd.s32 v7, v16;
	v19 =	vand.u32 $0x7E, v55;
	v57 =	vadd.f32 v43, v9;
	[tilespmem:v25+s17+$0x0] =	vst.idx.msk $0xffff, v17  }
0xc8: {  	v11 =	vadd.f32 v45, v8;
	v59 =	vadd.s32 v6, v19;
	[tilespmem:v46+s17+$0x0] =	vst.idx.msk $0xffff, v24  }
0xc9: {  	v60 =	vadd.f32 v50, v9;
	v61 =	vadd.s32 v7, v19;
	[tilespmem:v48+s17+$0x0] =	vst.idx.msk $0xffff, v57  }
0xca: {  	s20 =	sshll.u32 s23, $0x14;
	v62 =	vadd.f32 v53, v8;
	[tilespmem:v52+s17+$0x0] =	vst.idx.msk $0xffff, v11  }
0xcb: {  	s6 =	sor.u32 s5, s20;
	v63 =	vadd.f32 v56, v9;
	[tilespmem:v54+s17+$0x0] =	vst.idx.msk $0xffff, v60  }
0xcc: {  	s6 =	sshrl.u32 s6, $0x3;
	v8 =	vadd.f32 v58, v8;
	[tilespmem:v16+s17+$0x0] =	vst.idx.msk $0xffff, v62  }
0xcd: {  	s9 =	simm.s32 $0x200;
	s6 =	sadd.s32 s7, s6;
	[tilespmem:v59+s17+$0x0] =	vst.idx.msk $0xffff, v63  }
0xce: {  	s8 =	simm.s32 $0x9D00;
	s12 =	simm.s32 $0x9D88;
	s20 =	sadd.s32 $0x0, s6;
	[tilespmem:v61+s17+$0x0] =	vst.idx.msk $0xffff, v8  }
.LBB2_11:
0xcf: {  	[hbm4b:s20+s3] =	stream.linear.scatter [tilespmem:s8], [sflag:$0x3], $0x80, $0x38;
	[tilespmem:$0x12500] =	vst v63  }
0xd0: {  	s20 =	smov.u32 s9;
	s8 =	smov.u32 s12;
	p1 =	sne.s32 s9, $0xFE00  }
.Ltmp6:
0xd1: {  	s9 =	sadd.s32 $0x200, s9;
	(pc) =	sbr.rel @p1 .LBB2_11-.Ltmp6, $2  }
0xd2: {  	_ =	sdelay $0x2  }
0xd3: {  	s12 =	sadd.s32 $0x88, s12;
	s20 =	sadd.s32 s20, s6  }
0xd4: {  	[hbm4b:s20+s3] =	stream.linear.scatter [tilespmem:s8], [sflag:$0x3], $0x80, $0x38;
	[tilespmem:$0x12500] =	vst v63  }
0xd5: {  	p1 =	seq.s32 s23, $0x18  }
0xd6: {  	s6 =	sshll.u32 @!p1 s23, $0xF  }
0xd7: {  	s6 =	sadd.s32 @!p1 s10, s6  }
0xd8: {  	s8 =	simm.s32 @!p1 $0x80;
	s6 =	sshrl.u32 @!p1 s6, $0x3  }
0xd9: {  	s9 =	simm.s32 @!p1 $0x1000;
	s12 =	simm.s32 @!p1 $0x1900;
	s6 =	sadd.s32 @!p1 s1, s6  }
0xda: {  	[tilespmem:s12], [sflag:$0x5] =	stream.strided.gather @!p1 [hbm4b:s6+s8], $0x200, s9, s8, $0x38;
	[tilespmem:$0x12500] =	vst v63  }
0xdb: {  	s6 =	simm.s32 @!p1 $0x5  }
0xdc: {  	_ =	swait.ge @!p1 [sflag:s6], $0x200  }
0xdd: {  	[sflag:s6] =	ssyncset.done @!p1 $0x0  }
0xde: {  	[sflag:s6] =	ssyncadd.s32 @!p1 $0xFFFFFE00;
	s6 =	simm.s32 @!p1 $0x1D00  }
0xdf: {  	[tilespmem:s6], [sflag:$0x1] =	stream.indirect.gather @!p1 [hbm4b:s4+s8], $0x20, s12, s8, $0xb8;
	[tilespmem:$0x12500] =	vst v63  }
0xe0: {  	s9 =	simm.s32 @!p1 $0x2D00;
	s6 =	simm.s32 @!p1 $0x1980  }
0xe1: {  	[tilespmem:s9], [sflag:$0x1] =	stream.indirect.gather @!p1 [hbm4b:s4+s8], $0x20, s6, s8, $0xb8;
	[tilespmem:$0x12500] =	vst v63  }
0xe2: {  	s6 =	simm.s32 @!p1 $0x1A00;
	s9 =	simm.s32 @!p1 $0x3D00  }
0xe3: {  	[tilespmem:s9], [sflag:$0x1] =	stream.indirect.gather @!p1 [hbm4b:s4+s8], $0x20, s6, s8, $0xb8;
	[tilespmem:$0x12500] =	vst v63  }
0xe4: {  	s6 =	simm.s32 @!p1 $0x1A80;
	s9 =	simm.s32 @!p1 $0x4D00  }
0xe5: {  	[tilespmem:s9], [sflag:$0x1] =	stream.indirect.gather @!p1 [hbm4b:s4+s8], $0x20, s6, s8, $0xb8;
	[tilespmem:$0x12500] =	vst v63  }
0xe6: {  	_ =	swait.ge [sflag:s18], $0x1000  }
0xe7: {  	[sflag:s18] =	ssyncset.done $0x0  }
0xe8: {  	[sflag:s18] =	ssyncadd.s32 $0xFFFFF000  }
0xe9: {  	_ =	swait.ge [sflag:s18], $0x1000  }
0xea: {  	[sflag:s18] =	ssyncset.done $0x0  }
0xeb: {  	[sflag:s18] =	ssyncadd.s32 $0xFFFFF000  }
0xec: {  	_ =	swait.ge [sflag:s18], $0x1000  }
0xed: {  	[sflag:s18] =	ssyncset.done $0x0  }
0xee: {  	[sflag:s18] =	ssyncadd.s32 $0xFFFFF000  }
0xef: {  	_ =	swait.ge [sflag:s18], $0x1000  }
0xf0: {  	[sflag:s18] =	ssyncset.done $0x0  }
0xf1: {  	s6 =	simm.s32 @!p0 $0x4;
	[sflag:s18] =	ssyncadd.s32 $0xFFFFF000  }
0xf2: {  	s16 =	sor.u32 $0x1, s16;
	_ =	swait.ge @!p0 [sflag:s6], $0x4000  }
0xf3: {  	s9 =	sshll.u32 s16, $0x7;
	[sflag:s6] =	ssyncset.done @!p0 $0x0  }
0xf4: {  	[sflag:s6] =	ssyncadd.s32 @!p0 $0xFFFFC000;
	s6 =	sand.u32 $0x3FFFFF80, s9  }
0xf5: {  	v9 =	vld [tilespmem:s6+$0x0]  }
0xf6: {  	s12 =	simm.s32 $0x3;
	s8 =	simm.s32 $0x5D40;
	v8 =	vld [tilespmem:s6+$0x10]  }
0xf7: {  	v10 =	vmov s12;
	v12 =	vld [tilespmem:s8+$0x20]  }
0xf8: {  	s20 =	simm.s32 $0x0;
	v10 =	vand.u32 $0x7F, v10;
	v14 =	vld [tilespmem:s8+$0x30]  }
0xf9: {  	v11 =	vmov s20;
	v17 =	vadd.s32 v0, v10;
	v15 =	vld [tilespmem:s8+$0xFFFFFFC0]  }
0xfa: {  	v11 =	vand.u32 $0x7C, v11;
	s12 =	simm.s32 $0x1;
	v24 =	vadd.s32 v1, v10;
	v19 =	vld [tilespmem:s8+$0xFFFFFFD0]  }
0xfb: {  	v16 =	vadd.s32 v0, v11;
	v13 =	vmov s12;
	v18 =	vld [tilespmem:s8+$0xFFFFFFE0]  }
0xfc: {  	s20 =	simm.s32 $0x2;
	v10 =	vadd.s32 v1, v11;
	v21 =	vand.u32 $0x7D, v13;
	v11 =	vld [tilespmem:s8+$0xFFFFFFF0];
	v22 =	vadd.f32 v12, v9  }
0xfd: {  	v23 =	vmov s20;
	v13 =	vld [tilespmem:s8+$0x0];
	v12 =	vadd.s32 v0, v21;
	v25 =	vadd.f32 v14, v8  }
0xfe: {  	s20 =	simm.s32 $0x7;
	s9 =	simm.s32 $0x5DC0;
	v20 =	vadd.f32 v15, v9;
	v14 =	vadd.s32 v1, v21;
	v15 =	vld [tilespmem:s8+$0x10];
	v21 =	vand.u32 $0x7E, v23;
	[tilespmem:v17+s19+$0x0] =	vst.idx.msk $0xffff, v22  }
0xff: {  	s12 =	simm.s32 $0x4;
	v23 =	vmov s20;
	s8 =	simm.s32 $0x8;
	v17 =	vld [tilespmem:s9+$0x20];
	v22 =	vadd.f32 v19, v8;
	v19 =	vadd.s32 v0, v21;
	[tilespmem:v24+s19+$0x0] =	vst.idx.msk $0xffff, v25  }
.LBB2_13:
0x100: {  	p0 =	slt.u32 s8, $0x7C;
	v24 =	vld [tilespmem:s9+$0x30];
	v23 =	vand.u32 $0x7F, v23;
	[tilespmem:v16+s19+$0x0] =	vst.idx.msk $0xffff, v20;
	v16 =	vadd.f32 v18, v9;
	v20 =	vadd.s32 v1, v21  }
0x101: {  	v18 =	vmov s12;
	v21 =	vld [tilespmem:s9+$0xFFFFFFC0];
	v25 =	vadd.s32 v0, v23;
	[tilespmem:v10+s19+$0x0] =	vst.idx.msk $0xffff, v22;
	v10 =	vadd.f32 v11, v8  }
0x102: {  	s20 =	sadd.s32 $0x1, s12;
	v11 =	vand.u32 $0x7C, v18;
	v26 =	vadd.s32 v1, v23;
	v22 =	vld [tilespmem:s9+$0xFFFFFFD0];
	[tilespmem:v12+s19+$0x0] =	vst.idx.msk $0xffff, v16;
	v12 =	vadd.f32 v13, v9  }
.Ltmp7:
0x103: {  	v16 =	vadd.s32 v0, v11;
	v13 =	vmov s20;
	v18 =	vld [tilespmem:s9+$0xFFFFFFE0];
	[tilespmem:v14+s19+$0x0] =	vst.idx.msk $0xffff, v10;
	v14 =	vadd.f32 v15, v8;
	(pc) =	sbr.rel @p0 .LBB2_13-.Ltmp7, $4  }
0x104: {  	s20 =	sadd.s32 $0x2, s12;
	s12 =	smov.u32 s8;
	v10 =	vadd.s32 v1, v11;
	v15 =	vand.u32 $0x7D, v13;
	v11 =	vld [tilespmem:s9+$0xFFFFFFF0];
	v17 =	vadd.f32 v17, v9;
	[tilespmem:v19+s19+$0x0] =	vst.idx.msk $0xffff, v12  }
0x105: {  	v12 =	vadd.s32 v0, v15;
	v19 =	vmov s20;
	v13 =	vld [tilespmem:s9+$0x0];
	v24 =	vadd.f32 v24, v8;
	[tilespmem:v20+s19+$0x0] =	vst.idx.msk $0xffff, v14  }
0x106: {  	s20 =	sadd.s32 $0x3, s8;
	v14 =	vadd.s32 v1, v15;
	v20 =	vadd.f32 v21, v9;
	v15 =	vld [tilespmem:s9+$0x10];
	v21 =	vand.u32 $0x7E, v19;
	[tilespmem:v25+s19+$0x0] =	vst.idx.msk $0xffff, v17;
	s9 =	sadd.s32 $0x80, s9  }
0x107: {  	s8 =	sadd.s32 $0x4, s8;
	v23 =	vmov s20;
	v17 =	vld [tilespmem:s9+$0x20];
	v22 =	vadd.f32 v22, v8;
	v19 =	vadd.s32 v0, v21;
	[tilespmem:v26+s19+$0x0] =	vst.idx.msk $0xffff, v24  }
0x108: {  	_ =	sdelay $0x3  }
0x109: {  	v24 =	vld [tilespmem:s9+$0x30];
	v23 =	vand.u32 $0x7F, v23;
	[tilespmem:v16+s19+$0x0] =	vst.idx.msk $0xffff, v20;
	v16 =	vadd.f32 v18, v9;
	v18 =	vadd.s32 v1, v21  }
0x10a: {  	v20 =	vmov s12;
	v21 =	vld [tilespmem:s9+$0xFFFFFFC0];
	v25 =	vadd.s32 v0, v23;
	[tilespmem:v10+s19+$0x0] =	vst.idx.msk $0xffff, v22;
	v10 =	vadd.f32 v11, v8  }
0x10b: {  	s8 =	sadd.s32 $0x1, s12;
	v11 =	vld [tilespmem:s9+$0xFFFFFFD0];
	v20 =	vand.u32 $0x7C, v20;
	v22 =	vadd.s32 v1, v23;
	[tilespmem:v12+s19+$0x0] =	vst.idx.msk $0xffff, v16;
	v12 =	vadd.f32 v13, v9  }
0x10c: {  	v23 =	vld [tilespmem:s9+$0xFFFFFFE0];
	v13 =	vadd.s32 v0, v20;
	v16 =	vmov s8;
	[tilespmem:v14+s19+$0x0] =	vst.idx.msk $0xffff, v10;
	v10 =	vadd.f32 v15, v8  }
0x10d: {  	s20 =	sadd.s32 $0x2, s12;
	v14 =	vadd.s32 v1, v20;
	v15 =	vld [tilespmem:s9+$0xFFFFFFF0];
	v16 =	vand.u32 $0x7D, v16;
	v17 =	vadd.f32 v17, v9;
	[tilespmem:v19+s19+$0x0] =	vst.idx.msk $0xffff, v12  }
0x10e: {  	v20 =	vld [tilespmem:s9+$0x0];
	v12 =	vadd.s32 v0, v16;
	v19 =	vmov s20;
	v24 =	vadd.f32 v24, v8;
	[tilespmem:v18+s19+$0x0] =	vst.idx.msk $0xffff, v10  }
0x10f: {  	v16 =	vadd.s32 v1, v16;
	v10 =	vadd.f32 v21, v9;
	v18 =	vld [tilespmem:s9+$0x10];
	v19 =	vand.u32 $0x7E, v19;
	[tilespmem:v25+s19+$0x0] =	vst.idx.msk $0xffff, v17  }
0x110: {  	v11 =	vadd.f32 v11, v8;
	v17 =	vadd.s32 v0, v19;
	[tilespmem:v22+s19+$0x0] =	vst.idx.msk $0xffff, v24  }
0x111: {  	[tilespmem:v13+s19+$0x0] =	vst.idx.msk $0xffff, v10;
	v10 =	vadd.f32 v23, v9;
	v13 =	vadd.s32 v1, v19  }
0x112: {  	[tilespmem:v14+s19+$0x0] =	vst.idx.msk $0xffff, v11;
	v11 =	vadd.f32 v15, v8  }
0x113: {  	v9 =	vadd.f32 v20, v9;
	[tilespmem:v12+s19+$0x0] =	vst.idx.msk $0xffff, v10  }
0x114: {  	[tilespmem:v16+s19+$0x0] =	vst.idx.msk $0xffff, v11;
	v8 =	vadd.f32 v18, v8  }
0x115: {  	[tilespmem:v17+s19+$0x0] =	vst.idx.msk $0xffff, v9  }
0x116: {  	[tilespmem:v13+s19+$0x0] =	vst.idx.msk $0xffff, v8  }
0x117: {  	v9 =	vld [tilespmem:s6+$0x20]  }
0x118: {  	s12 =	simm.s32 $0x3;
	s8 =	simm.s32 $0x6D70;
	v8 =	vld [tilespmem:s6+$0x30]  }
0x119: {  	v10 =	vmov s12;
	v12 =	vld [tilespmem:s8+$0xFFFFFFF0]  }
0x11a: {  	s20 =	simm.s32 $0x0;
	v10 =	vand.u32 $0x7F, v10;
	v14 =	vld [tilespmem:s8+$0x0]  }
0x11b: {  	v11 =	vmov s20;
	v17 =	vadd.s32 v2, v10;
	v15 =	vld [tilespmem:s8+$0xFFFFFF90]  }
0x11c: {  	s12 =	simm.s32 $0x1;
	v11 =	vand.u32 $0x7C, v11;
	v62 =	vadd.s32 v3, v10;
	v19 =	vld [tilespmem:s8+$0xFFFFFFA0]  }
0x11d: {  	v16 =	vadd.s32 v2, v11;
	v13 =	vmov s12;
	v18 =	vld [tilespmem:s8+$0xFFFFFFB0]  }
0x11e: {  	s20 =	simm.s32 $0x2;
	v10 =	vadd.s32 v3, v11;
	v11 =	vld [tilespmem:s8+$0xFFFFFFC0];
	v21 =	vand.u32 $0x7D, v13;
	v22 =	vadd.f32 v12, v9  }
0x11f: {  	v23 =	vmov s20;
	v13 =	vld [tilespmem:s8+$0xFFFFFFD0];
	v12 =	vadd.s32 v2, v21;
	v63 =	vadd.f32 v14, v8  }
0x120: {  	s9 =	simm.s32 $0x6DF0;
	s20 =	simm.s32 $0x7;
	v20 =	vadd.f32 v15, v9;
	v14 =	vadd.s32 v3, v21;
	v15 =	vld [tilespmem:s8+$0xFFFFFFE0];
	v21 =	vand.u32 $0x7E, v23;
	[tilespmem:v17+s19+$0x0] =	vst.idx.msk $0xffff, v22  }
0x121: {  	s12 =	simm.s32 $0x4;
	v23 =	vmov s20;
	s8 =	simm.s32 $0x8;
	v17 =	vld [tilespmem:s9+$0xFFFFFFF0];
	v22 =	vadd.f32 v19, v8;
	v19 =	vadd.s32 v2, v21;
	[tilespmem:v62+s19+$0x0] =	vst.idx.msk $0xffff, v63  }
.LBB2_15:
0x122: {  	p0 =	slt.u32 s8, $0x7C;
	v24 =	vld [tilespmem:s9+$0x0];
	v23 =	vand.u32 $0x7F, v23;
	[tilespmem:v16+s19+$0x0] =	vst.idx.msk $0xffff, v20;
	v16 =	vadd.f32 v18, v9;
	v20 =	vadd.s32 v3, v21  }
0x123: {  	v18 =	vmov s12;
	v21 =	vld [tilespmem:s9+$0xFFFFFF90];
	v25 =	vadd.s32 v2, v23;
	[tilespmem:v10+s19+$0x0] =	vst.idx.msk $0xffff, v22;
	v10 =	vadd.f32 v11, v8  }
0x124: {  	s20 =	sadd.s32 $0x1, s12;
	v11 =	vand.u32 $0x7C, v18;
	v26 =	vadd.s32 v3, v23;
	v22 =	vld [tilespmem:s9+$0xFFFFFFA0];
	[tilespmem:v12+s19+$0x0] =	vst.idx.msk $0xffff, v16;
	v12 =	vadd.f32 v13, v9  }
.Ltmp8:
0x125: {  	v16 =	vadd.s32 v2, v11;
	v13 =	vmov s20;
	v18 =	vld [tilespmem:s9+$0xFFFFFFB0];
	[tilespmem:v14+s19+$0x0] =	vst.idx.msk $0xffff, v10;
	v14 =	vadd.f32 v15, v8;
	(pc) =	sbr.rel @p0 .LBB2_15-.Ltmp8, $4  }
0x126: {  	s20 =	sadd.s32 $0x2, s12;
	s12 =	smov.u32 s8;
	v10 =	vadd.s32 v3, v11;
	v15 =	vand.u32 $0x7D, v13;
	v11 =	vld [tilespmem:s9+$0xFFFFFFC0];
	v17 =	vadd.f32 v17, v9;
	[tilespmem:v19+s19+$0x0] =	vst.idx.msk $0xffff, v12  }
0x127: {  	v12 =	vadd.s32 v2, v15;
	v19 =	vmov s20;
	v13 =	vld [tilespmem:s9+$0xFFFFFFD0];
	v24 =	vadd.f32 v24, v8;
	[tilespmem:v20+s19+$0x0] =	vst.idx.msk $0xffff, v14  }
0x128: {  	s20 =	sadd.s32 $0x3, s8;
	v14 =	vadd.s32 v3, v15;
	v20 =	vadd.f32 v21, v9;
	v15 =	vld [tilespmem:s9+$0xFFFFFFE0];
	v21 =	vand.u32 $0x7E, v19;
	[tilespmem:v25+s19+$0x0] =	vst.idx.msk $0xffff, v17;
	s9 =	sadd.s32 $0x80, s9  }
0x129: {  	s8 =	sadd.s32 $0x4, s8;
	v23 =	vmov s20;
	v17 =	vld [tilespmem:s9+$0xFFFFFFF0];
	v22 =	vadd.f32 v22, v8;
	v19 =	vadd.s32 v2, v21;
	[tilespmem:v26+s19+$0x0] =	vst.idx.msk $0xffff, v24  }
0x12a: {  	_ =	sdelay $0x3  }
0x12b: {  	v24 =	vld [tilespmem:s9+$0x0];
	v23 =	vand.u32 $0x7F, v23;
	[tilespmem:v16+s19+$0x0] =	vst.idx.msk $0xffff, v20;
	v16 =	vadd.f32 v18, v9;
	v18 =	vadd.s32 v3, v21  }
0x12c: {  	v20 =	vmov s12;
	v21 =	vld [tilespmem:s9+$0xFFFFFF90];
	v25 =	vadd.s32 v2, v23;
	[tilespmem:v10+s19+$0x0] =	vst.idx.msk $0xffff, v22;
	v10 =	vadd.f32 v11, v8  }
0x12d: {  	s8 =	sadd.s32 $0x1, s12;
	v11 =	vld [tilespmem:s9+$0xFFFFFFA0];
	v20 =	vand.u32 $0x7C, v20;
	v22 =	vadd.s32 v3, v23;
	[tilespmem:v12+s19+$0x0] =	vst.idx.msk $0xffff, v16;
	v12 =	vadd.f32 v13, v9  }
0x12e: {  	v23 =	vld [tilespmem:s9+$0xFFFFFFB0];
	v13 =	vadd.s32 v2, v20;
	v16 =	vmov s8;
	[tilespmem:v14+s19+$0x0] =	vst.idx.msk $0xffff, v10;
	v10 =	vadd.f32 v15, v8  }
0x12f: {  	s20 =	sadd.s32 $0x2, s12;
	v14 =	vadd.s32 v3, v20;
	v15 =	vld [tilespmem:s9+$0xFFFFFFC0];
	v16 =	vand.u32 $0x7D, v16;
	v17 =	vadd.f32 v17, v9;
	[tilespmem:v19+s19+$0x0] =	vst.idx.msk $0xffff, v12  }
0x130: {  	v20 =	vld [tilespmem:s9+$0xFFFFFFD0];
	v12 =	vadd.s32 v2, v16;
	v19 =	vmov s20;
	v24 =	vadd.f32 v24, v8;
	[tilespmem:v18+s19+$0x0] =	vst.idx.msk $0xffff, v10  }
0x131: {  	v16 =	vadd.s32 v3, v16;
	v10 =	vadd.f32 v21, v9;
	v18 =	vld [tilespmem:s9+$0xFFFFFFE0];
	v19 =	vand.u32 $0x7E, v19;
	[tilespmem:v25+s19+$0x0] =	vst.idx.msk $0xffff, v17  }
0x132: {  	v11 =	vadd.f32 v11, v8;
	v17 =	vadd.s32 v2, v19;
	[tilespmem:v22+s19+$0x0] =	vst.idx.msk $0xffff, v24  }
0x133: {  	[tilespmem:v13+s19+$0x0] =	vst.idx.msk $0xffff, v10;
	v10 =	vadd.f32 v23, v9;
	v13 =	vadd.s32 v3, v19  }
0x134: {  	[tilespmem:v14+s19+$0x0] =	vst.idx.msk $0xffff, v11;
	v11 =	vadd.f32 v15, v8  }
0x135: {  	v9 =	vadd.f32 v20, v9;
	[tilespmem:v12+s19+$0x0] =	vst.idx.msk $0xffff, v10  }
0x136: {  	[tilespmem:v16+s19+$0x0] =	vst.idx.msk $0xffff, v11;
	v8 =	vadd.f32 v18, v8  }
0x137: {  	[tilespmem:v17+s19+$0x0] =	vst.idx.msk $0xffff, v9  }
0x138: {  	[tilespmem:v13+s19+$0x0] =	vst.idx.msk $0xffff, v8  }
0x139: {  	v9 =	vld [tilespmem:s6+$0x40]  }
0x13a: {  	s12 =	simm.s32 $0x3;
	s8 =	simm.s32 $0x7D70;
	v8 =	vld [tilespmem:s6+$0x50]  }
0x13b: {  	v10 =	vmov s12;
	v12 =	vld [tilespmem:s8+$0xFFFFFFF0]  }
0x13c: {  	s20 =	simm.s32 $0x0;
	v10 =	vand.u32 $0x7F, v10;
	v14 =	vld [tilespmem:s8+$0x0]  }
0x13d: {  	v11 =	vmov s20;
	v17 =	vadd.s32 v4, v10;
	v15 =	vld [tilespmem:s8+$0xFFFFFF90]  }
0x13e: {  	s12 =	simm.s32 $0x1;
	v11 =	vand.u32 $0x7C, v11;
	v62 =	vadd.s32 v5, v10;
	v19 =	vld [tilespmem:s8+$0xFFFFFFA0]  }
0x13f: {  	v16 =	vadd.s32 v4, v11;
	v13 =	vmov s12;
	v18 =	vld [tilespmem:s8+$0xFFFFFFB0]  }
0x140: {  	s20 =	simm.s32 $0x2;
	v10 =	vadd.s32 v5, v11;
	v11 =	vld [tilespmem:s8+$0xFFFFFFC0];
	v21 =	vand.u32 $0x7D, v13;
	v22 =	vadd.f32 v12, v9  }
0x141: {  	v23 =	vmov s20;
	v13 =	vld [tilespmem:s8+$0xFFFFFFD0];
	v12 =	vadd.s32 v4, v21;
	v63 =	vadd.f32 v14, v8  }
0x142: {  	s9 =	simm.s32 $0x7DF0;
	s20 =	simm.s32 $0x7;
	v20 =	vadd.f32 v15, v9;
	v14 =	vadd.s32 v5, v21;
	v15 =	vld [tilespmem:s8+$0xFFFFFFE0];
	v21 =	vand.u32 $0x7E, v23;
	[tilespmem:v17+s19+$0x0] =	vst.idx.msk $0xffff, v22  }
0x143: {  	s12 =	simm.s32 $0x4;
	v23 =	vmov s20;
	s8 =	simm.s32 $0x8;
	v17 =	vld [tilespmem:s9+$0xFFFFFFF0];
	v22 =	vadd.f32 v19, v8;
	v19 =	vadd.s32 v4, v21;
	[tilespmem:v62+s19+$0x0] =	vst.idx.msk $0xffff, v63  }
.LBB2_17:
0x144: {  	p0 =	slt.u32 s8, $0x7C;
	v24 =	vld [tilespmem:s9+$0x0];
	v23 =	vand.u32 $0x7F, v23;
	[tilespmem:v16+s19+$0x0] =	vst.idx.msk $0xffff, v20;
	v16 =	vadd.f32 v18, v9;
	v20 =	vadd.s32 v5, v21  }
0x145: {  	v18 =	vmov s12;
	v21 =	vld [tilespmem:s9+$0xFFFFFF90];
	v25 =	vadd.s32 v4, v23;
	[tilespmem:v10+s19+$0x0] =	vst.idx.msk $0xffff, v22;
	v10 =	vadd.f32 v11, v8  }
0x146: {  	s20 =	sadd.s32 $0x1, s12;
	v11 =	vand.u32 $0x7C, v18;
	v26 =	vadd.s32 v5, v23;
	v22 =	vld [tilespmem:s9+$0xFFFFFFA0];
	[tilespmem:v12+s19+$0x0] =	vst.idx.msk $0xffff, v16;
	v12 =	vadd.f32 v13, v9  }
.Ltmp9:
0x147: {  	v16 =	vadd.s32 v4, v11;
	v13 =	vmov s20;
	v18 =	vld [tilespmem:s9+$0xFFFFFFB0];
	[tilespmem:v14+s19+$0x0] =	vst.idx.msk $0xffff, v10;
	v14 =	vadd.f32 v15, v8;
	(pc) =	sbr.rel @p0 .LBB2_17-.Ltmp9, $4  }
0x148: {  	s20 =	sadd.s32 $0x2, s12;
	s12 =	smov.u32 s8;
	v10 =	vadd.s32 v5, v11;
	v15 =	vand.u32 $0x7D, v13;
	v11 =	vld [tilespmem:s9+$0xFFFFFFC0];
	v17 =	vadd.f32 v17, v9;
	[tilespmem:v19+s19+$0x0] =	vst.idx.msk $0xffff, v12  }
0x149: {  	v12 =	vadd.s32 v4, v15;
	v19 =	vmov s20;
	v13 =	vld [tilespmem:s9+$0xFFFFFFD0];
	v24 =	vadd.f32 v24, v8;
	[tilespmem:v20+s19+$0x0] =	vst.idx.msk $0xffff, v14  }
0x14a: {  	s20 =	sadd.s32 $0x3, s8;
	v14 =	vadd.s32 v5, v15;
	v20 =	vadd.f32 v21, v9;
	v15 =	vld [tilespmem:s9+$0xFFFFFFE0];
	v21 =	vand.u32 $0x7E, v19;
	[tilespmem:v25+s19+$0x0] =	vst.idx.msk $0xffff, v17;
	s9 =	sadd.s32 $0x80, s9  }
0x14b: {  	s8 =	sadd.s32 $0x4, s8;
	v23 =	vmov s20;
	v17 =	vld [tilespmem:s9+$0xFFFFFFF0];
	v22 =	vadd.f32 v22, v8;
	v19 =	vadd.s32 v4, v21;
	[tilespmem:v26+s19+$0x0] =	vst.idx.msk $0xffff, v24  }
0x14c: {  	_ =	sdelay $0x3  }
0x14d: {  	v24 =	vld [tilespmem:s9+$0x0];
	v23 =	vand.u32 $0x7F, v23;
	[tilespmem:v16+s19+$0x0] =	vst.idx.msk $0xffff, v20;
	v16 =	vadd.f32 v18, v9;
	v18 =	vadd.s32 v5, v21  }
0x14e: {  	v20 =	vmov s12;
	v21 =	vld [tilespmem:s9+$0xFFFFFF90];
	v25 =	vadd.s32 v4, v23;
	[tilespmem:v10+s19+$0x0] =	vst.idx.msk $0xffff, v22;
	v10 =	vadd.f32 v11, v8  }
0x14f: {  	s8 =	sadd.s32 $0x1, s12;
	v11 =	vld [tilespmem:s9+$0xFFFFFFA0];
	v20 =	vand.u32 $0x7C, v20;
	v22 =	vadd.s32 v5, v23;
	[tilespmem:v12+s19+$0x0] =	vst.idx.msk $0xffff, v16;
	v12 =	vadd.f32 v13, v9  }
0x150: {  	v23 =	vld [tilespmem:s9+$0xFFFFFFB0];
	v13 =	vadd.s32 v4, v20;
	v16 =	vmov s8;
	[tilespmem:v14+s19+$0x0] =	vst.idx.msk $0xffff, v10;
	v10 =	vadd.f32 v15, v8  }
0x151: {  	s20 =	sadd.s32 $0x2, s12;
	v14 =	vadd.s32 v5, v20;
	v15 =	vld [tilespmem:s9+$0xFFFFFFC0];
	v16 =	vand.u32 $0x7D, v16;
	v17 =	vadd.f32 v17, v9;
	[tilespmem:v19+s19+$0x0] =	vst.idx.msk $0xffff, v12  }
0x152: {  	v20 =	vld [tilespmem:s9+$0xFFFFFFD0];
	v12 =	vadd.s32 v4, v16;
	v19 =	vmov s20;
	v24 =	vadd.f32 v24, v8;
	[tilespmem:v18+s19+$0x0] =	vst.idx.msk $0xffff, v10  }
0x153: {  	v16 =	vadd.s32 v5, v16;
	v10 =	vadd.f32 v21, v9;
	v18 =	vld [tilespmem:s9+$0xFFFFFFE0];
	v19 =	vand.u32 $0x7E, v19;
	[tilespmem:v25+s19+$0x0] =	vst.idx.msk $0xffff, v17  }
0x154: {  	v11 =	vadd.f32 v11, v8;
	v17 =	vadd.s32 v4, v19;
	[tilespmem:v22+s19+$0x0] =	vst.idx.msk $0xffff, v24  }
0x155: {  	[tilespmem:v13+s19+$0x0] =	vst.idx.msk $0xffff, v10;
	v10 =	vadd.f32 v23, v9;
	v13 =	vadd.s32 v5, v19  }
0x156: {  	[tilespmem:v14+s19+$0x0] =	vst.idx.msk $0xffff, v11;
	v11 =	vadd.f32 v15, v8  }
0x157: {  	v9 =	vadd.f32 v20, v9;
	[tilespmem:v12+s19+$0x0] =	vst.idx.msk $0xffff, v10  }
0x158: {  	[tilespmem:v16+s19+$0x0] =	vst.idx.msk $0xffff, v11;
	v8 =	vadd.f32 v18, v8  }
0x159: {  	[tilespmem:v17+s19+$0x0] =	vst.idx.msk $0xffff, v9  }
0x15a: {  	[tilespmem:v13+s19+$0x0] =	vst.idx.msk $0xffff, v8  }
0x15b: {  	v9 =	vld [tilespmem:s6+$0x60]  }
0x15c: {  	s12 =	simm.s32 $0x3;
	v8 =	vld [tilespmem:s6+$0x70];
	s6 =	simm.s32 $0x8D70  }
0x15d: {  	v10 =	vmov s12;
	v12 =	vld [tilespmem:s6+$0xFFFFFFF0]  }
0x15e: {  	s20 =	simm.s32 $0x0;
	v10 =	vand.u32 $0x7F, v10;
	v14 =	vld [tilespmem:s6+$0x0]  }
0x15f: {  	v11 =	vmov s20;
	v17 =	vadd.s32 v6, v10;
	v15 =	vld [tilespmem:s6+$0xFFFFFF90]  }
0x160: {  	s9 =	simm.s32 $0x1;
	v11 =	vand.u32 $0x7C, v11;
	v62 =	vadd.s32 v7, v10;
	v19 =	vld [tilespmem:s6+$0xFFFFFFA0]  }
0x161: {  	v16 =	vadd.s32 v6, v11;
	v13 =	vmov s9;
	v18 =	vld [tilespmem:s6+$0xFFFFFFB0]  }
0x162: {  	s12 =	simm.s32 $0x2;
	v10 =	vadd.s32 v7, v11;
	v21 =	vand.u32 $0x7D, v13;
	v11 =	vld [tilespmem:s6+$0xFFFFFFC0];
	v22 =	vadd.f32 v12, v9  }
0x163: {  	v23 =	vmov s12;
	v13 =	vld [tilespmem:s6+$0xFFFFFFD0];
	v12 =	vadd.s32 v6, v21;
	v63 =	vadd.f32 v14, v8  }
0x164: {  	s20 =	simm.s32 $0x7;
	v20 =	vadd.f32 v15, v9;
	v14 =	vadd.s32 v7, v21;
	v15 =	vld [tilespmem:s6+$0xFFFFFFE0];
	v21 =	vand.u32 $0x7E, v23;
	s6 =	simm.s32 $0x8DF0;
	[tilespmem:v17+s19+$0x0] =	vst.idx.msk $0xffff, v22  }
0x165: {  	s8 =	simm.s32 $0x8;
	s9 =	simm.s32 $0x4;
	v23 =	vmov s20;
	v17 =	vld [tilespmem:s6+$0xFFFFFFF0];
	v22 =	vadd.f32 v19, v8;
	v19 =	vadd.s32 v6, v21;
	[tilespmem:v62+s19+$0x0] =	vst.idx.msk $0xffff, v63  }
.LBB2_19:
0x166: {  	p0 =	slt.u32 s8, $0x7C;
	v24 =	vld [tilespmem:s6+$0x0];
	v23 =	vand.u32 $0x7F, v23;
	[tilespmem:v16+s19+$0x0] =	vst.idx.msk $0xffff, v20;
	v16 =	vadd.f32 v18, v9;
	v20 =	vadd.s32 v7, v21  }
0x167: {  	v18 =	vmov s9;
	v21 =	vld [tilespmem:s6+$0xFFFFFF90];
	v25 =	vadd.s32 v6, v23;
	[tilespmem:v10+s19+$0x0] =	vst.idx.msk $0xffff, v22;
	v10 =	vadd.f32 v11, v8  }
0x168: {  	s12 =	sadd.s32 $0x1, s9;
	v11 =	vand.u32 $0x7C, v18;
	v26 =	vadd.s32 v7, v23;
	v22 =	vld [tilespmem:s6+$0xFFFFFFA0];
	[tilespmem:v12+s19+$0x0] =	vst.idx.msk $0xffff, v16;
	v12 =	vadd.f32 v13, v9  }
.Ltmp10:
0x169: {  	v16 =	vadd.s32 v6, v11;
	v13 =	vmov s12;
	v18 =	vld [tilespmem:s6+$0xFFFFFFB0];
	[tilespmem:v14+s19+$0x0] =	vst.idx.msk $0xffff, v10;
	v14 =	vadd.f32 v15, v8;
	(pc) =	sbr.rel @p0 .LBB2_19-.Ltmp10, $4  }
0x16a: {  	s12 =	sadd.s32 $0x2, s9;
	s9 =	smov.u32 s8;
	v10 =	vadd.s32 v7, v11;
	v15 =	vand.u32 $0x7D, v13;
	v11 =	vld [tilespmem:s6+$0xFFFFFFC0];
	v17 =	vadd.f32 v17, v9;
	[tilespmem:v19+s19+$0x0] =	vst.idx.msk $0xffff, v12  }
0x16b: {  	v12 =	vadd.s32 v6, v15;
	v19 =	vmov s12;
	v13 =	vld [tilespmem:s6+$0xFFFFFFD0];
	v24 =	vadd.f32 v24, v8;
	[tilespmem:v20+s19+$0x0] =	vst.idx.msk $0xffff, v14  }
0x16c: {  	s12 =	sadd.s32 $0x3, s8;
	v14 =	vadd.s32 v7, v15;
	v20 =	vadd.f32 v21, v9;
	v15 =	vld [tilespmem:s6+$0xFFFFFFE0];
	v21 =	vand.u32 $0x7E, v19;
	[tilespmem:v25+s19+$0x0] =	vst.idx.msk $0xffff, v17;
	s6 =	sadd.s32 $0x80, s6  }
0x16d: {  	s8 =	sadd.s32 $0x4, s8;
	v23 =	vmov s12;
	v17 =	vld [tilespmem:s6+$0xFFFFFFF0];
	v22 =	vadd.f32 v22, v8;
	v19 =	vadd.s32 v6, v21;
	[tilespmem:v26+s19+$0x0] =	vst.idx.msk $0xffff, v24  }
0x16e: {  	_ =	sdelay $0x3  }
0x16f: {  	v24 =	vld [tilespmem:s6+$0x0];
	v23 =	vand.u32 $0x7F, v23;
	[tilespmem:v16+s19+$0x0] =	vst.idx.msk $0xffff, v20;
	v40 =	vadd.f32 v18, v9;
	v41 =	vadd.s32 v7, v21  }
0x170: {  	v42 =	vmov s9;
	v43 =	vld [tilespmem:s6+$0xFFFFFF90];
	v25 =	vadd.s32 v6, v23;
	[tilespmem:v10+s19+$0x0] =	vst.idx.msk $0xffff, v22;
	v44 =	vadd.f32 v11, v8  }
0x171: {  	v45 =	vld [tilespmem:s6+$0xFFFFFFA0];
	s8 =	sadd.s32 $0x1, s9;
	v20 =	vand.u32 $0x7C, v42;
	v46 =	vadd.s32 v7, v23;
	[tilespmem:v12+s19+$0x0] =	vst.idx.msk $0xffff, v40;
	v47 =	vadd.f32 v13, v9  }
0x172: {  	v50 =	vld [tilespmem:s6+$0xFFFFFFB0];
	v49 =	vmov s8;
	v48 =	vadd.s32 v6, v20;
	[tilespmem:v14+s19+$0x0] =	vst.idx.msk $0xffff, v44;
	v51 =	vadd.f32 v15, v8  }
0x173: {  	v53 =	vld [tilespmem:s6+$0xFFFFFFC0];
	s12 =	sadd.s32 $0x2, s9;
	v52 =	vadd.s32 v7, v20;
	v16 =	vand.u32 $0x7D, v49;
	v17 =	vadd.f32 v17, v9;
	[tilespmem:v19+s19+$0x0] =	vst.idx.msk $0xffff, v47  }
0x174: {  	v56 =	vld [tilespmem:s6+$0xFFFFFFD0];
	v55 =	vmov s12;
	v54 =	vadd.s32 v6, v16;
	v24 =	vadd.f32 v24, v8;
	[tilespmem:v41+s19+$0x0] =	vst.idx.msk $0xffff, v51  }
0x175: {  	v58 =	vld [tilespmem:s6+$0xFFFFFFE0];
	v16 =	vadd.s32 v7, v16;
	v19 =	vand.u32 $0x7E, v55;
	v57 =	vadd.f32 v43, v9;
	[tilespmem:v25+s19+$0x0] =	vst.idx.msk $0xffff, v17  }
0x176: {  	v11 =	vadd.f32 v45, v8;
	v59 =	vadd.s32 v6, v19;
	[tilespmem:v46+s19+$0x0] =	vst.idx.msk $0xffff, v24  }
0x177: {  	v60 =	vadd.f32 v50, v9;
	v61 =	vadd.s32 v7, v19;
	[tilespmem:v48+s19+$0x0] =	vst.idx.msk $0xffff, v57  }
0x178: {  	s20 =	sshll.u32 s16, $0x13;
	v62 =	vadd.f32 v53, v8;
	[tilespmem:v52+s19+$0x0] =	vst.idx.msk $0xffff, v11  }
0x179: {  	s6 =	sor.u32 s5, s20;
	v63 =	vadd.f32 v56, v9;
	[tilespmem:v54+s19+$0x0] =	vst.idx.msk $0xffff, v60  }
0x17a: {  	s6 =	sshrl.u32 s6, $0x3;
	v8 =	vadd.f32 v58, v8;
	[tilespmem:v16+s19+$0x0] =	vst.idx.msk $0xffff, v62  }
0x17b: {  	s9 =	simm.s32 $0x200;
	s6 =	sadd.s32 s7, s6;
	[tilespmem:v59+s19+$0x0] =	vst.idx.msk $0xffff, v63  }
0x17c: {  	s8 =	simm.s32 $0xE100;
	s12 =	simm.s32 $0xE188;
	s16 =	sadd.s32 $0x0, s6;
	[tilespmem:v61+s19+$0x0] =	vst.idx.msk $0xffff, v8  }
.LBB2_21:
0x17d: {  	[hbm4b:s16+s3] =	stream.linear.scatter [tilespmem:s8], [sflag:$0x4], $0x80, $0x38;
	[tilespmem:$0x12500] =	vst v63  }
0x17e: {  	s16 =	smov.u32 s9;
	s8 =	smov.u32 s12;
	p0 =	sne.s32 s9, $0xFE00  }
.Ltmp11:
0x17f: {  	s9 =	sadd.s32 $0x200, s9;
	(pc) =	sbr.rel @p0 .LBB2_21-.Ltmp11, $2  }
0x180: {  	_ =	sdelay $0x2  }
0x181: {  	s12 =	sadd.s32 $0x88, s12;
	s16 =	sadd.s32 s16, s6  }
.Ltmp12:
0x182: {  	(pc) =	sbr.rel @p1 .LBB2_24-.Ltmp12, $2  }
0x183: {  	_ =	sdelay $0x2  }
0x184: {  	[hbm4b:s16+s3] =	stream.linear.scatter [tilespmem:s8], [sflag:$0x4], $0x80, $0x38;
	[tilespmem:$0x12500] =	vst v63  }
0x185: {  	s6 =	sshll.u32 s23, $0xF  }
0x186: {  	s6 =	sadd.s32 s11, s6  }
0x187: {  	s6 =	sshrl.u32 s6, $0x3  }
0x188: {  	s6 =	sadd.s32 s1, s6  }
0x189: {  	[tilespmem:s24], [sflag:$0x5] =	stream.strided.gather [hbm4b:s6+s14], $0x200, s15, s14, $0x38;
	[tilespmem:$0x12500] =	vst v63  }
0x18a: {  	_ =	swait.ge [sflag:s13], $0x200  }
0x18b: {  	[sflag:s13] =	ssyncset.done $0x0  }
0x18c: {  	[sflag:s13] =	ssyncadd.s32 $0xFFFFFE00  }
0x18d: {  	[tilespmem:s25], [sflag:$0x2] =	stream.indirect.gather [hbm4b:s4+s14], $0x20, s24, s14, $0xb8;
	[tilespmem:$0x12500] =	vst v63  }
0x18e: {  	_ = 	snop  }
0x18f: {  	[tilespmem:s28], [sflag:$0x2] =	stream.indirect.gather [hbm4b:s4+s14], $0x20, s26, s14, $0xb8;
	[tilespmem:$0x12500] =	vst v63  }
.Ltmp13:
0x190: {  	_ = 	snop;
	(pc) =	sbr.rel .LBB2_2-.Ltmp13, $4  }
0x191: {  	_ = 	snop  }
0x192: {  	[tilespmem:s30], [sflag:$0x2] =	stream.indirect.gather [hbm4b:s4+s14], $0x20, s29, s14, $0xb8;
	[tilespmem:$0x12500] =	vst v63  }
0x193: {  	s23 =	sadd.s32 $0x1, s23  }
0x194: {  	[tilespmem:s0], [sflag:$0x2] =	stream.indirect.gather [hbm4b:s4+s14], $0x20, s31, s14, $0xb8;
	[tilespmem:$0x12500] =	vst v63  }
.LBB2_25:
0x195: {  	_ =	sfence.sel $0x180000  }
0x196: {  	[bflag:$0x0] =	sbarrier.arrive $0xFFFF  }
0x197: {  	_ =	strace $0x90000047  }
0x198: {  	s0 =	stileid.u32;
	[bflag:$0x2] =	sbarrier.arrive $0xFFFF  }
0x199: {  	p0 =	sne.s32 s0, $0x0;
	s0 =	rddreg [dreg:$0x2]  }
0x19a: {  	s0 =	sadd.s32 @!p0 $0x100000, s0  }
0x19b: {  	[sflag:s0] =	ssyncadd.tile.s32 @!p0 $0x1;
	_ =	shalt  }
.Lfunc_end2:
_tile_overlayer_lowered:
.L_overlay_start_2:
0x19c: {  	(tag) =	ssettag $0x2  }
0x19d: {  	s0 =	rddreg [dreg:$0x0];
	s2 =	stileid.u32  }
0x19e: {  	s1 =	rddreg [dreg:$0x1];
	p0 =	sne.s32 s2, $0x0  }
0x19f: {  	s3 =	rddreg [dreg:$0x2];
	[bflag:$0x3] =	sbarrier.arrive $0xFFFF;
	s2 =	simm.s32 @!p0 $0x1C05  }
0x1a0: {  	[timem:s3], [sflag:s2] =	dma.local @!p0 [hbm:s0], s1  }
0x1a1: {  	s0 =	simm.s32 @!p0 $0x5  }
0x1a2: {  	_ =	swait.ge @!p0 [sflag:s0], s1  }
0x1a3: {  	s1 =	ssub.s32 @!p0 $0x0, s1;
	[sflag:s0] =	ssyncset.done @!p0 $0x0  }
0x1a4: {  	[sflag:s0] =	ssyncadd.s32 @!p0 s1  }
0x1a5: {  	[bflag:$0x3] =	sbarrier.arrive $0xFFFF  }
0x1a6: {  	_ =	shalt  }

</sc_bundles>
